<compile_context>
chip_gen: v7x
topology: tpu7x:2x2x1
jax: 0.10.2.dev20260603
libtpu: 0.0.44.dev20260713+nightly
codegen_flags: <defaults>
</compile_context>

<pallas_src>
import functools

import jax
import jax.numpy as jnp
from jax import lax
from jax.experimental import pallas as pl
from jax.experimental.pallas import tpu as pltpu
from jax.experimental.pallas import tpu_sc as plsc

N_FIELDS = 26
VOCAB = 100000
EMBD = 32
BATCH = 16384

NUM_CORES = 2
NUM_SUBCORES = 16
NW = NUM_CORES * NUM_SUBCORES
FLAT = BATCH * N_FIELDS
PER_W = FLAT // NW
CHUNK = 128
NCH = PER_W // CHUNK
NBUF = 8
NGRP = NCH // NBUF


def _sc_embed(tf2d, tab_flat):
    mesh = plsc.VectorSubcoreMesh(core_axis_name="c", subcore_axis_name="s")

    @functools.partial(
        pl.kernel,
        mesh=mesh,
        out_type=jax.ShapeDtypeStruct((FLAT, EMBD), jnp.float32),
        compiler_params=pltpu.CompilerParams(use_tc_tiling_on_sc=False),
        scratch_types=[
            pltpu.VMEM((NCH, CHUNK), jnp.int32),
            pltpu.VMEM((2, NBUF, CHUNK, EMBD), jnp.float32),
            pltpu.SemaphoreType.DMA,
            pltpu.SemaphoreType.DMA,
        ],
    )
    def k(tf_hbm, tab_hbm, out_hbm, idx_v, rows_v, gsem, wsem):
        wid = lax.axis_index("s") * NUM_CORES + lax.axis_index("c")
        row0 = wid * NCH
        pltpu.sync_copy(tf_hbm.at[pl.ds(row0, NCH)], idx_v)

        iota = lax.broadcasted_iota(jnp.int32, (16,), 0)

        def off_body(r, carry):
            base = r * CHUNK
            for b in range(CHUNK // 16):
                p = (base + b * 16) + iota
                f = lax.rem(p, N_FIELDS)
                sl = pl.ds(b * 16, 16)
                idx_v[r, sl] = idx_v[r, sl] + f * VOCAB
            return carry

        lax.fori_loop(0, NCH, off_body, 0)

        out_base = wid * PER_W

        def body(g, carry):
            parity = lax.rem(g, 2)

            @pl.when(g >= 2)
            def _():
                for b in range(NBUF):
                    pltpu.make_async_copy(
                        rows_v.at[parity, b],
                        out_hbm.at[pl.ds(out_base, CHUNK)],
                        wsem,
                    ).wait()

            handles = []
            for b in range(NBUF):
                j = g * NBUF + b
                handles.append(
                    pltpu.async_copy(
                        tab_hbm.at[idx_v.at[j]],
                        rows_v.at[parity, b],
                        gsem,
                    )
                )
            for h in handles:
                h.wait()
            for b in range(NBUF):
                j = g * NBUF + b
                pltpu.async_copy(
                    rows_v.at[parity, b],
                    out_hbm.at[pl.ds(out_base + j * CHUNK, CHUNK)],
                    wsem,
                )
            return carry

        lax.fori_loop(0, NGRP, body, 0)

        for _ in range(2 * NBUF):
            pltpu.make_async_copy(
                rows_v.at[0, 0],
                out_hbm.at[pl.ds(out_base, CHUNK)],
                wsem,
            ).wait()

    return k(tf2d, tab_flat)


def kernel(t_features, tables):
    tf2d = t_features.astype(jnp.int32).reshape(NW * NCH, CHUNK)
    tab_flat = tables.reshape(N_FIELDS * VOCAB, EMBD)
    out = _sc_embed(tf2d, tab_flat)
    return out.reshape(BATCH, N_FIELDS * EMBD)

# --- scband reference (transcript-rebuilt; emitter-appended) ---
"""Pipeline reference for scband-multi-feature-embedder-75316546503248 (READ-ONLY COPY).

The authoritative reference and input builder live on the scoring server;
editing this copy changes nothing except your own understanding.
"""

import jax, jax.numpy as jnp
import numpy as np

N_FIELDS = 26
VOCAB = 100000
EMBD = 32
BATCH = 16384


def setup_inputs(seed: int = 0) -> dict:
    key = jax.random.key(seed)
    k_idx, k_tab = jax.random.split(key)
    t_features = jax.random.randint(k_idx, (BATCH, N_FIELDS), 0, VOCAB, dtype=jnp.int64 if jax.config.jax_enable_x64 else jnp.int32)
    # Stacked embedding tables: one table of shape [VOCAB, EMBD] per field.
    tables = jax.random.normal(k_tab, (N_FIELDS, VOCAB, EMBD), dtype=jnp.float32) * 0.02
    return {"t_features": t_features, "tables": tables}


def reference(t_features, tables):
    # Faithful translation of MultiFeatureEmbedder.forward:
    # embedded = [embedding_i(t_features[:, i]) for each field i]; concat along dim=1.
    embedded = [jnp.take(tables[i], t_features[:, i], axis=0) for i in range(N_FIELDS)]
    return jnp.concatenate(embedded, axis=1)

if __name__ == "__main__":
    import jax
    _d = setup_inputs()
    print(jax.jit(kernel)(*tuple(_d.values())))

</pallas_src>

<mosaic_0001>
#map = affine_map<(d0, d1) -> (0, 0)>
module attributes {stable_mosaic.version = 14 : i64} {
  func.func @k(%arg0: i32, %arg1: i32, %arg2: memref<3328x128xi32, #tpu.memory_space<hbm>>, %arg3: memref<2600000x32xf32, #tpu.memory_space<hbm>>, %arg4: memref<425984x32xf32, #tpu.memory_space<hbm>>, %arg5: memref<104x128xi32, #tpu.memory_space<vmem>>, %arg6: memref<2x8x128x32xf32, #tpu.memory_space<vmem>>, %arg7: memref<!tpu.dma_semaphore, #tpu.memory_space<semaphore_mem>>, %arg8: memref<!tpu.dma_semaphore, #tpu.memory_space<semaphore_mem>>) attributes {dimension_semantics = [#tpu.dimension_semantics<core_parallel>, #tpu.dimension_semantics<subcore_parallel>], iteration_bounds = array<i64: 2, 16>, scalar_prefetch = 0 : i64, scratch_operands = 4 : i64, tpu.core_type = #tpu.core_type<sc_vector_subcore>, window_params = [{transform_indices = #map}, {transform_indices = #map}, {transform_indices = #map}]} {
    %mul3A = arith.constant 2 : i32
    %mul3A_0 = arith.muli %arg1, %mul3A : i32
    %add3A = arith.addi %mul3A_0, %arg0 : i32
    %mul3A_1 = arith.constant 104 : i32
    %mul3A_2 = arith.muli %add3A, %mul3A_1 : i32
    "tpu.region"() ({
      %run_scoped3A = tpu.sem_alloc : memref<!tpu.dma_semaphore, #tpu.memory_space<semaphore_mem>>
      %dma_start3A = arith.constant 0 : i32
      %dma_start3A_239 = tpu.memref_slice %arg2[%mul3A_2, %dma_start3A] : memref<3328x128xi32, #tpu.memory_space<hbm>> -> memref<104x128xi32, #tpu.memory_space<hbm>>
      %dma_start3A_240 = arith.constant 0 : i32
      %dma_start3A_241 = tpu.memref_slice %arg2[%mul3A_2, %dma_start3A_240] : memref<3328x128xi32, #tpu.memory_space<hbm>> -> memref<104x128xi32, #tpu.memory_space<hbm>>
      tpu.enqueue_dma source(%dma_start3A_241 : memref<104x128xi32, #tpu.memory_space<hbm>>) target(%arg5 : memref<104x128xi32, #tpu.memory_space<vmem>>) target_semaphore(%run_scoped3A : memref<!tpu.dma_semaphore, #tpu.memory_space<semaphore_mem>>)
      %dma_wait3A_242 = arith.constant 0 : i32
      %dma_wait3A_243 = tpu.memref_slice %arg2[%mul3A_2, %dma_wait3A_242] : memref<3328x128xi32, #tpu.memory_space<hbm>> -> memref<104x128xi32, #tpu.memory_space<hbm>>
      %dma_wait3A_244 = arith.constant 0 : i32
      %dma_wait3A_245 = tpu.memref_slice %arg2[%mul3A_2, %dma_wait3A_244] : memref<3328x128xi32, #tpu.memory_space<hbm>> -> memref<104x128xi32, #tpu.memory_space<hbm>>
      tpu.wait_dma2 semaphore(%run_scoped3A : memref<!tpu.dma_semaphore, #tpu.memory_space<semaphore_mem>>) src(%dma_wait3A_245 : memref<104x128xi32, #tpu.memory_space<hbm>>) dst(%arg5 : memref<104x128xi32, #tpu.memory_space<vmem>>)
      tpu.yield
    }) : () -> ()
    %iota3A = tpu.iota {dimensions = array<i32: 0>} : vector<16xi32>
    %scan3A = arith.constant 0 : i32
    %scan3A_3 = arith.constant 0 : i32
    %scan3A_4 = arith.constant 104 : i32
    %scan3A_5 = arith.addi %scan3A_3, %scan3A_4 : i32
    %scan3A_6 = arith.constant 1 : i32
    scf.for %scan3A_239 = %scan3A_3 to %scan3A_5 step %scan3A_6  : i32 {
      %mul3A_240 = arith.constant 128 : i32
      %mul3A_241 = arith.muli %scan3A_239, %mul3A_240 : i32
      %add3A_242 = arith.constant 0 : i32
      %add3A_243 = arith.addi %mul3A_241, %add3A_242 : i32
      %add3A_244 = vector.broadcast %add3A_243 : i32 to vector<16xi32>
      %add3A_245 = arith.addi %add3A_244, %iota3A : vector<16xi32>
      %rem3A = arith.constant 26 : i32
      %rem3A_246 = vector.broadcast %rem3A : i32 to vector<16xi32>
      %rem3A_247 = arith.remsi %add3A_245, %rem3A_246 : vector<16xi32>
      %get3A = arith.index_cast %scan3A_239 : i32 to index
      %get3A_248 = arith.constant 0 : index
      %get3A_249 = tpu.vector_load %arg5[%get3A, %get3A_248] {strides = array<i32>} : memref<104x128xi32, #tpu.memory_space<vmem>>, vector<1x16xi32>,
      %get3A_250 = vector.shape_cast %get3A_249 : vector<1x16xi32> to vector<16xi32>
      %mul3A_251 = arith.constant 100000 : i32
      %mul3A_252 = vector.broadcast %mul3A_251 : i32 to vector<16xi32>
      %mul3A_253 = arith.muli %rem3A_247, %mul3A_252 : vector<16xi32>
      %add3A_254 = arith.addi %get3A_250, %mul3A_253 : vector<16xi32>
      %swap3A = arith.index_cast %scan3A_239 : i32 to index
      %swap3A_255 = arith.constant 0 : index
      %swap3A_256 = tpu.vector_load %arg5[%swap3A, %swap3A_255] {strides = array<i32>} : memref<104x128xi32, #tpu.memory_space<vmem>>, vector<1x16xi32>,
      %swap3A_257 = vector.shape_cast %swap3A_256 : vector<1x16xi32> to vector<16xi32>
      %swap3A_258 = vector.shape_cast %add3A_254 : vector<16xi32> to vector<1x16xi32>
      tpu.vector_store %arg5[%swap3A, %swap3A_255], %swap3A_258 {strides = array<i32>} : memref<104x128xi32, #tpu.memory_space<vmem>>, vector<1x16xi32>,
      %add3A_259 = arith.constant 16 : i32
      %add3A_260 = arith.addi %mul3A_241, %add3A_259 : i32
      %add3A_261 = vector.broadcast %add3A_260 : i32 to vector<16xi32>
      %add3A_262 = arith.addi %add3A_261, %iota3A : vector<16xi32>
      %rem3A_263 = arith.constant 26 : i32
      %rem3A_264 = vector.broadcast %rem3A_263 : i32 to vector<16xi32>
      %rem3A_265 = arith.remsi %add3A_262, %rem3A_264 : vector<16xi32>
      %get3A_266 = arith.index_cast %scan3A_239 : i32 to index
      %get3A_267 = arith.constant 16 : index
      %get3A_268 = tpu.vector_load %arg5[%get3A_266, %get3A_267] {strides = array<i32>} : memref<104x128xi32, #tpu.memory_space<vmem>>, vector<1x16xi32>,
      %get3A_269 = vector.shape_cast %get3A_268 : vector<1x16xi32> to vector<16xi32>
      %mul3A_270 = arith.constant 100000 : i32
      %mul3A_271 = vector.broadcast %mul3A_270 : i32 to vector<16xi32>
      %mul3A_272 = arith.muli %rem3A_265, %mul3A_271 : vector<16xi32>
      %add3A_273 = arith.addi %get3A_269, %mul3A_272 : vector<16xi32>
      %swap3A_274 = arith.index_cast %scan3A_239 : i32 to index
      %swap3A_275 = arith.constant 16 : index
      %swap3A_276 = tpu.vector_load %arg5[%swap3A_274, %swap3A_275] {strides = array<i32>} : memref<104x128xi32, #tpu.memory_space<vmem>>, vector<1x16xi32>,
      %swap3A_277 = vector.shape_cast %swap3A_276 : vector<1x16xi32> to vector<16xi32>
      %swap3A_278 = vector.shape_cast %add3A_273 : vector<16xi32> to vector<1x16xi32>
      tpu.vector_store %arg5[%swap3A_274, %swap3A_275], %swap3A_278 {strides = array<i32>} : memref<104x128xi32, #tpu.memory_space<vmem>>, vector<1x16xi32>,
      %add3A_279 = arith.constant 32 : i32
      %add3A_280 = arith.addi %mul3A_241, %add3A_279 : i32
      %add3A_281 = vector.broadcast %add3A_280 : i32 to vector<16xi32>
      %add3A_282 = arith.addi %add3A_281, %iota3A : vector<16xi32>
      %rem3A_283 = arith.constant 26 : i32
      %rem3A_284 = vector.broadcast %rem3A_283 : i32 to vector<16xi32>
      %rem3A_285 = arith.remsi %add3A_282, %rem3A_284 : vector<16xi32>
      %get3A_286 = arith.index_cast %scan3A_239 : i32 to index
      %get3A_287 = arith.constant 32 : index
      %get3A_288 = tpu.vector_load %arg5[%get3A_286, %get3A_287] {strides = array<i32>} : memref<104x128xi32, #tpu.memory_space<vmem>>, vector<1x16xi32>,
      %get3A_289 = vector.shape_cast %get3A_288 : vector<1x16xi32> to vector<16xi32>
      %mul3A_290 = arith.constant 100000 : i32
      %mul3A_291 = vector.broadcast %mul3A_290 : i32 to vector<16xi32>
      %mul3A_292 = arith.muli %rem3A_285, %mul3A_291 : vector<16xi32>
      %add3A_293 = arith.addi %get3A_289, %mul3A_292 : vector<16xi32>
      %swap3A_294 = arith.index_cast %scan3A_239 : i32 to index
      %swap3A_295 = arith.constant 32 : index
      %swap3A_296 = tpu.vector_load %arg5[%swap3A_294, %swap3A_295] {strides = array<i32>} : memref<104x128xi32, #tpu.memory_space<vmem>>, vector<1x16xi32>,
      %swap3A_297 = vector.shape_cast %swap3A_296 : vector<1x16xi32> to vector<16xi32>
      %swap3A_298 = vector.shape_cast %add3A_293 : vector<16xi32> to vector<1x16xi32>
      tpu.vector_store %arg5[%swap3A_294, %swap3A_295], %swap3A_298 {strides = array<i32>} : memref<104x128xi32, #tpu.memory_space<vmem>>, vector<1x16xi32>,
      %add3A_299 = arith.constant 48 : i32
      %add3A_300 = arith.addi %mul3A_241, %add3A_299 : i32
      %add3A_301 = vector.broadcast %add3A_300 : i32 to vector<16xi32>
      %add3A_302 = arith.addi %add3A_301, %iota3A : vector<16xi32>
      %rem3A_303 = arith.constant 26 : i32
      %rem3A_304 = vector.broadcast %rem3A_303 : i32 to vector<16xi32>
      %rem3A_305 = arith.remsi %add3A_302, %rem3A_304 : vector<16xi32>
      %get3A_306 = arith.index_cast %scan3A_239 : i32 to index
      %get3A_307 = arith.constant 48 : index
      %get3A_308 = tpu.vector_load %arg5[%get3A_306, %get3A_307] {strides = array<i32>} : memref<104x128xi32, #tpu.memory_space<vmem>>, vector<1x16xi32>,
      %get3A_309 = vector.shape_cast %get3A_308 : vector<1x16xi32> to vector<16xi32>
      %mul3A_310 = arith.constant 100000 : i32
      %mul3A_311 = vector.broadcast %mul3A_310 : i32 to vector<16xi32>
      %mul3A_312 = arith.muli %rem3A_305, %mul3A_311 : vector<16xi32>
      %add3A_313 = arith.addi %get3A_309, %mul3A_312 : vector<16xi32>
      %swap3A_314 = arith.index_cast %scan3A_239 : i32 to index
      %swap3A_315 = arith.constant 48 : index
      %swap3A_316 = tpu.vector_load %arg5[%swap3A_314, %swap3A_315] {strides = array<i32>} : memref<104x128xi32, #tpu.memory_space<vmem>>, vector<1x16xi32>,
      %swap3A_317 = vector.shape_cast %swap3A_316 : vector<1x16xi32> to vector<16xi32>
      %swap3A_318 = vector.shape_cast %add3A_313 : vector<16xi32> to vector<1x16xi32>
      tpu.vector_store %arg5[%swap3A_314, %swap3A_315], %swap3A_318 {strides = array<i32>} : memref<104x128xi32, #tpu.memory_space<vmem>>, vector<1x16xi32>,
      %add3A_319 = arith.constant 64 : i32
      %add3A_320 = arith.addi %mul3A_241, %add3A_319 : i32
      %add3A_321 = vector.broadcast %add3A_320 : i32 to vector<16xi32>
      %add3A_322 = arith.addi %add3A_321, %iota3A : vector<16xi32>
      %rem3A_323 = arith.constant 26 : i32
      %rem3A_324 = vector.broadcast %rem3A_323 : i32 to vector<16xi32>
      %rem3A_325 = arith.remsi %add3A_322, %rem3A_324 : vector<16xi32>
      %get3A_326 = arith.index_cast %scan3A_239 : i32 to index
      %get3A_327 = arith.constant 64 : index
      %get3A_328 = tpu.vector_load %arg5[%get3A_326, %get3A_327] {strides = array<i32>} : memref<104x128xi32, #tpu.memory_space<vmem>>, vector<1x16xi32>,
      %get3A_329 = vector.shape_cast %get3A_328 : vector<1x16xi32> to vector<16xi32>
      %mul3A_330 = arith.constant 100000 : i32
      %mul3A_331 = vector.broadcast %mul3A_330 : i32 to vector<16xi32>
      %mul3A_332 = arith.muli %rem3A_325, %mul3A_331 : vector<16xi32>
      %add3A_333 = arith.addi %get3A_329, %mul3A_332 : vector<16xi32>
      %swap3A_334 = arith.index_cast %scan3A_239 : i32 to index
      %swap3A_335 = arith.constant 64 : index
      %swap3A_336 = tpu.vector_load %arg5[%swap3A_334, %swap3A_335] {strides = array<i32>} : memref<104x128xi32, #tpu.memory_space<vmem>>, vector<1x16xi32>,
      %swap3A_337 = vector.shape_cast %swap3A_336 : vector<1x16xi32> to vector<16xi32>
      %swap3A_338 = vector.shape_cast %add3A_333 : vector<16xi32> to vector<1x16xi32>
      tpu.vector_store %arg5[%swap3A_334, %swap3A_335], %swap3A_338 {strides = array<i32>} : memref<104x128xi32, #tpu.memory_space<vmem>>, vector<1x16xi32>,
      %add3A_339 = arith.constant 80 : i32
      %add3A_340 = arith.addi %mul3A_241, %add3A_339 : i32
      %add3A_341 = vector.broadcast %add3A_340 : i32 to vector<16xi32>
      %add3A_342 = arith.addi %add3A_341, %iota3A : vector<16xi32>
      %rem3A_343 = arith.constant 26 : i32
      %rem3A_344 = vector.broadcast %rem3A_343 : i32 to vector<16xi32>
      %rem3A_345 = arith.remsi %add3A_342, %rem3A_344 : vector<16xi32>
      %get3A_346 = arith.index_cast %scan3A_239 : i32 to index
      %get3A_347 = arith.constant 80 : index
      %get3A_348 = tpu.vector_load %arg5[%get3A_346, %get3A_347] {strides = array<i32>} : memref<104x128xi32, #tpu.memory_space<vmem>>, vector<1x16xi32>,
      %get3A_349 = vector.shape_cast %get3A_348 : vector<1x16xi32> to vector<16xi32>
      %mul3A_350 = arith.constant 100000 : i32
      %mul3A_351 = vector.broadcast %mul3A_350 : i32 to vector<16xi32>
      %mul3A_352 = arith.muli %rem3A_345, %mul3A_351 : vector<16xi32>
      %add3A_353 = arith.addi %get3A_349, %mul3A_352 : vector<16xi32>
      %swap3A_354 = arith.index_cast %scan3A_239 : i32 to index
      %swap3A_355 = arith.constant 80 : index
      %swap3A_356 = tpu.vector_load %arg5[%swap3A_354, %swap3A_355] {strides = array<i32>} : memref<104x128xi32, #tpu.memory_space<vmem>>, vector<1x16xi32>,
      %swap3A_357 = vector.shape_cast %swap3A_356 : vector<1x16xi32> to vector<16xi32>
      %swap3A_358 = vector.shape_cast %add3A_353 : vector<16xi32> to vector<1x16xi32>
      tpu.vector_store %arg5[%swap3A_354, %swap3A_355], %swap3A_358 {strides = array<i32>} : memref<104x128xi32, #tpu.memory_space<vmem>>, vector<1x16xi32>,
      %add3A_359 = arith.constant 96 : i32
      %add3A_360 = arith.addi %mul3A_241, %add3A_359 : i32
      %add3A_361 = vector.broadcast %add3A_360 : i32 to vector<16xi32>
      %add3A_362 = arith.addi %add3A_361, %iota3A : vector<16xi32>
      %rem3A_363 = arith.constant 26 : i32
      %rem3A_364 = vector.broadcast %rem3A_363 : i32 to vector<16xi32>
      %rem3A_365 = arith.remsi %add3A_362, %rem3A_364 : vector<16xi32>
      %get3A_366 = arith.index_cast %scan3A_239 : i32 to index
      %get3A_367 = arith.constant 96 : index
      %get3A_368 = tpu.vector_load %arg5[%get3A_366, %get3A_367] {strides = array<i32>} : memref<104x128xi32, #tpu.memory_space<vmem>>, vector<1x16xi32>,
      %get3A_369 = vector.shape_cast %get3A_368 : vector<1x16xi32> to vector<16xi32>
      %mul3A_370 = arith.constant 100000 : i32
      %mul3A_371 = vector.broadcast %mul3A_370 : i32 to vector<16xi32>
      %mul3A_372 = arith.muli %rem3A_365, %mul3A_371 : vector<16xi32>
      %add3A_373 = arith.addi %get3A_369, %mul3A_372 : vector<16xi32>
      %swap3A_374 = arith.index_cast %scan3A_239 : i32 to index
      %swap3A_375 = arith.constant 96 : index
      %swap3A_376 = tpu.vector_load %arg5[%swap3A_374, %swap3A_375] {strides = array<i32>} : memref<104x128xi32, #tpu.memory_space<vmem>>, vector<1x16xi32>,
      %swap3A_377 = vector.shape_cast %swap3A_376 : vector<1x16xi32> to vector<16xi32>
      %swap3A_378 = vector.shape_cast %add3A_373 : vector<16xi32> to vector<1x16xi32>
      tpu.vector_store %arg5[%swap3A_374, %swap3A_375], %swap3A_378 {strides = array<i32>} : memref<104x128xi32, #tpu.memory_space<vmem>>, vector<1x16xi32>,
      %add3A_379 = arith.constant 112 : i32
      %add3A_380 = arith.addi %mul3A_241, %add3A_379 : i32
      %add3A_381 = vector.broadcast %add3A_380 : i32 to vector<16xi32>
      %add3A_382 = arith.addi %add3A_381, %iota3A : vector<16xi32>
      %rem3A_383 = arith.constant 26 : i32
      %rem3A_384 = vector.broadcast %rem3A_383 : i32 to vector<16xi32>
      %rem3A_385 = arith.remsi %add3A_382, %rem3A_384 : vector<16xi32>
      %get3A_386 = arith.index_cast %scan3A_239 : i32 to index
      %get3A_387 = arith.constant 112 : index
      %get3A_388 = tpu.vector_load %arg5[%get3A_386, %get3A_387] {strides = array<i32>} : memref<104x128xi32, #tpu.memory_space<vmem>>, vector<1x16xi32>,
      %get3A_389 = vector.shape_cast %get3A_388 : vector<1x16xi32> to vector<16xi32>
      %mul3A_390 = arith.constant 100000 : i32
      %mul3A_391 = vector.broadcast %mul3A_390 : i32 to vector<16xi32>
      %mul3A_392 = arith.muli %rem3A_385, %mul3A_391 : vector<16xi32>
      %add3A_393 = arith.addi %get3A_389, %mul3A_392 : vector<16xi32>
      %swap3A_394 = arith.index_cast %scan3A_239 : i32 to index
      %swap3A_395 = arith.constant 112 : index
      %swap3A_396 = tpu.vector_load %arg5[%swap3A_394, %swap3A_395] {strides = array<i32>} : memref<104x128xi32, #tpu.memory_space<vmem>>, vector<1x16xi32>,
      %swap3A_397 = vector.shape_cast %swap3A_396 : vector<1x16xi32> to vector<16xi32>
      %swap3A_398 = vector.shape_cast %add3A_393 : vector<16xi32> to vector<1x16xi32>
      tpu.vector_store %arg5[%swap3A_394, %swap3A_395], %swap3A_398 {strides = array<i32>} : memref<104x128xi32, #tpu.memory_space<vmem>>, vector<1x16xi32>,
    }
    %scan3A_7 = arith.constant 104 : i32
    %mul3A_8 = arith.constant 13312 : i32
    %mul3A_9 = arith.muli %add3A, %mul3A_8 : i32
    %scan3A_10 = arith.constant 0 : i32
    %scan3A_11 = arith.constant 0 : i32
    %scan3A_12 = arith.constant 13 : i32
    %scan3A_13 = arith.addi %scan3A_11, %scan3A_12 : i32
    %scan3A_14 = arith.constant 1 : i32
    scf.for %scan3A_239 = %scan3A_11 to %scan3A_13 step %scan3A_14  : i32 {
      %rem3A = arith.constant 2 : i32
      %rem3A_240 = arith.remsi %scan3A_239, %rem3A : i32
      %ge3A = arith.constant 2 : i32
      %ge3A_241 = arith.cmpi sge, %scan3A_239, %ge3A : i32
      %convert_element_type3A = arith.extui %ge3A_241 : i1 to i32
      %cond3A = arith.constant 0 : i32
      %cond3A_242 = arith.cmpi ne, %convert_element_type3A, %cond3A : i32
      scf.if %cond3A_242 {
        %dma_wait3A_610 = arith.constant 0 : i32
        %dma_wait3A_611 = arith.constant 0 : i32
        %dma_wait3A_612 = arith.constant 0 : i32
        %dma_wait3A_613 = tpu.memref_slice %arg6[%rem3A_240, %dma_wait3A_610, %dma_wait3A_611, %dma_wait3A_612] : memref<2x8x128x32xf32, #tpu.memory_space<vmem>> -> memref<1x1x128x32xf32, #tpu.memory_space<vmem>>
        %dma_wait3A_614 = tpu.memref_squeeze %dma_wait3A_613 : memref<1x1x128x32xf32, #tpu.memory_space<vmem>> -> memref<128x32xf32, #tpu.memory_space<vmem>>
        %dma_wait3A_615 = arith.constant 0 : i32
        %dma_wait3A_616 = tpu.memref_slice %arg4[%mul3A_9, %dma_wait3A_615] : memref<425984x32xf32, #tpu.memory_space<hbm>> -> memref<128x32xf32, #tpu.memory_space<hbm>>
        %dma_wait3A_617 = arith.constant 0 : i32
        %dma_wait3A_618 = tpu.memref_slice %arg4[%mul3A_9, %dma_wait3A_617] : memref<425984x32xf32, #tpu.memory_space<hbm>> -> memref<128x32xf32, #tpu.memory_space<hbm>>
        %dma_wait3A_619 = arith.constant 0 : i32
        %dma_wait3A_620 = arith.constant 0 : i32
        %dma_wait3A_621 = tpu.memref_slice %arg6[%rem3A_240, %dma_wait3A_610, %dma_wait3A_619, %dma_wait3A_620] : memref<2x8x128x32xf32, #tpu.memory_space<vmem>> -> memref<1x1x128x32xf32, #tpu.memory_space<vmem>>
        %dma_wait3A_622 = tpu.memref_squeeze %dma_wait3A_621 : memref<1x1x128x32xf32, #tpu.memory_space<vmem>> -> memref<128x32xf32, #tpu.memory_space<vmem>>
        tpu.wait_dma2 semaphore(%arg8 : memref<!tpu.dma_semaphore, #tpu.memory_space<semaphore_mem>>) src(%dma_wait3A_622 : memref<128x32xf32, #tpu.memory_space<vmem>>) dst(%dma_wait3A_618 : memref<128x32xf32, #tpu.memory_space<hbm>>)
        %dma_wait3A_623 = arith.constant 1 : i32
        %dma_wait3A_624 = arith.constant 0 : i32
        %dma_wait3A_625 = arith.constant 0 : i32
        %dma_wait3A_626 = tpu.memref_slice %arg6[%rem3A_240, %dma_wait3A_623, %dma_wait3A_624, %dma_wait3A_625] : memref<2x8x128x32xf32, #tpu.memory_space<vmem>> -> memref<1x1x128x32xf32, #tpu.memory_space<vmem>>
        %dma_wait3A_627 = tpu.memref_squeeze %dma_wait3A_626 : memref<1x1x128x32xf32, #tpu.memory_space<vmem>> -> memref<128x32xf32, #tpu.memory_space<vmem>>
        %dma_wait3A_628 = arith.constant 0 : i32
        %dma_wait3A_629 = tpu.memref_slice %arg4[%mul3A_9, %dma_wait3A_628] : memref<425984x32xf32, #tpu.memory_space<hbm>> -> memref<128x32xf32, #tpu.memory_space<hbm>>
        %dma_wait3A_630 = arith.constant 0 : i32
        %dma_wait3A_631 = tpu.memref_slice %arg4[%mul3A_9, %dma_wait3A_630] : memref<425984x32xf32, #tpu.memory_space<hbm>> -> memref<128x32xf32, #tpu.memory_space<hbm>>
        %dma_wait3A_632 = arith.constant 0 : i32
        %dma_wait3A_633 = arith.constant 0 : i32
        %dma_wait3A_634 = tpu.memref_slice %arg6[%rem3A_240, %dma_wait3A_623, %dma_wait3A_632, %dma_wait3A_633] : memref<2x8x128x32xf32, #tpu.memory_space<vmem>> -> memref<1x1x128x32xf32, #tpu.memory_space<vmem>>
        %dma_wait3A_635 = tpu.memref_squeeze %dma_wait3A_634 : memref<1x1x128x32xf32, #tpu.memory_space<vmem>> -> memref<128x32xf32, #tpu.memory_space<vmem>>
        tpu.wait_dma2 semaphore(%arg8 : memref<!tpu.dma_semaphore, #tpu.memory_space<semaphore_mem>>) src(%dma_wait3A_635 : memref<128x32xf32, #tpu.memory_space<vmem>>) dst(%dma_wait3A_631 : memref<128x32xf32, #tpu.memory_space<hbm>>)
        %dma_wait3A_636 = arith.constant 2 : i32
        %dma_wait3A_637 = arith.constant 0 : i32
        %dma_wait3A_638 = arith.constant 0 : i32
        %dma_wait3A_639 = tpu.memref_slice %arg6[%rem3A_240, %dma_wait3A_636, %dma_wait3A_637, %dma_wait3A_638] : memref<2x8x128x32xf32, #tpu.memory_space<vmem>> -> memref<1x1x128x32xf32, #tpu.memory_space<vmem>>
        %dma_wait3A_640 = tpu.memref_squeeze %dma_wait3A_639 : memref<1x1x128x32xf32, #tpu.memory_space<vmem>> -> memref<128x32xf32, #tpu.memory_space<vmem>>
        %dma_wait3A_641 = arith.constant 0 : i32
        %dma_wait3A_642 = tpu.memref_slice %arg4[%mul3A_9, %dma_wait3A_641] : memref<425984x32xf32, #tpu.memory_space<hbm>> -> memref<128x32xf32, #tpu.memory_space<hbm>>
        %dma_wait3A_643 = arith.constant 0 : i32
        %dma_wait3A_644 = tpu.memref_slice %arg4[%mul3A_9, %dma_wait3A_643] : memref<425984x32xf32, #tpu.memory_space<hbm>> -> memref<128x32xf32, #tpu.memory_space<hbm>>
        %dma_wait3A_645 = arith.constant 0 : i32
        %dma_wait3A_646 = arith.constant 0 : i32
        %dma_wait3A_647 = tpu.memref_slice %arg6[%rem3A_240, %dma_wait3A_636, %dma_wait3A_645, %dma_wait3A_646] : memref<2x8x128x32xf32, #tpu.memory_space<vmem>> -> memref<1x1x128x32xf32, #tpu.memory_space<vmem>>
        %dma_wait3A_648 = tpu.memref_squeeze %dma_wait3A_647 : memref<1x1x128x32xf32, #tpu.memory_space<vmem>> -> memref<128x32xf32, #tpu.memory_space<vmem>>
        tpu.wait_dma2 semaphore(%arg8 : memref<!tpu.dma_semaphore, #tpu.memory_space<semaphore_mem>>) src(%dma_wait3A_648 : memref<128x32xf32, #tpu.memory_space<vmem>>) dst(%dma_wait3A_644 : memref<128x32xf32, #tpu.memory_space<hbm>>)
        %dma_wait3A_649 = arith.constant 3 : i32
        %dma_wait3A_650 = arith.constant 0 : i32
        %dma_wait3A_651 = arith.constant 0 : i32
        %dma_wait3A_652 = tpu.memref_slice %arg6[%rem3A_240, %dma_wait3A_649, %dma_wait3A_650, %dma_wait3A_651] : memref<2x8x128x32xf32, #tpu.memory_space<vmem>> -> memref<1x1x128x32xf32, #tpu.memory_space<vmem>>
        %dma_wait3A_653 = tpu.memref_squeeze %dma_wait3A_652 : memref<1x1x128x32xf32, #tpu.memory_space<vmem>> -> memref<128x32xf32, #tpu.memory_space<vmem>>
        %dma_wait3A_654 = arith.constant 0 : i32
        %dma_wait3A_655 = tpu.memref_slice %arg4[%mul3A_9, %dma_wait3A_654] : memref<425984x32xf32, #tpu.memory_space<hbm>> -> memref<128x32xf32, #tpu.memory_space<hbm>>
        %dma_wait3A_656 = arith.constant 0 : i32
        %dma_wait3A_657 = tpu.memref_slice %arg4[%mul3A_9, %dma_wait3A_656] : memref<425984x32xf32, #tpu.memory_space<hbm>> -> memref<128x32xf32, #tpu.memory_space<hbm>>
        %dma_wait3A_658 = arith.constant 0 : i32
        %dma_wait3A_659 = arith.constant 0 : i32
        %dma_wait3A_660 = tpu.memref_slice %arg6[%rem3A_240, %dma_wait3A_649, %dma_wait3A_658, %dma_wait3A_659] : memref<2x8x128x32xf32, #tpu.memory_space<vmem>> -> memref<1x1x128x32xf32, #tpu.memory_space<vmem>>
        %dma_wait3A_661 = tpu.memref_squeeze %dma_wait3A_660 : memref<1x1x128x32xf32, #tpu.memory_space<vmem>> -> memref<128x32xf32, #tpu.memory_space<vmem>>
        tpu.wait_dma2 semaphore(%arg8 : memref<!tpu.dma_semaphore, #tpu.memory_space<semaphore_mem>>) src(%dma_wait3A_661 : memref<128x32xf32, #tpu.memory_space<vmem>>) dst(%dma_wait3A_657 : memref<128x32xf32, #tpu.memory_space<hbm>>)
        %dma_wait3A_662 = arith.constant 4 : i32
        %dma_wait3A_663 = arith.constant 0 : i32
        %dma_wait3A_664 = arith.constant 0 : i32
        %dma_wait3A_665 = tpu.memref_slice %arg6[%rem3A_240, %dma_wait3A_662, %dma_wait3A_663, %dma_wait3A_664] : memref<2x8x128x32xf32, #tpu.memory_space<vmem>> -> memref<1x1x128x32xf32, #tpu.memory_space<vmem>>
        %dma_wait3A_666 = tpu.memref_squeeze %dma_wait3A_665 : memref<1x1x128x32xf32, #tpu.memory_space<vmem>> -> memref<128x32xf32, #tpu.memory_space<vmem>>
        %dma_wait3A_667 = arith.constant 0 : i32
        %dma_wait3A_668 = tpu.memref_slice %arg4[%mul3A_9, %dma_wait3A_667] : memref<425984x32xf32, #tpu.memory_space<hbm>> -> memref<128x32xf32, #tpu.memory_space<hbm>>
        %dma_wait3A_669 = arith.constant 0 : i32
        %dma_wait3A_670 = tpu.memref_slice %arg4[%mul3A_9, %dma_wait3A_669] : memref<425984x32xf32, #tpu.memory_space<hbm>> -> memref<128x32xf32, #tpu.memory_space<hbm>>
        %dma_wait3A_671 = arith.constant 0 : i32
        %dma_wait3A_672 = arith.constant 0 : i32
        %dma_wait3A_673 = tpu.memref_slice %arg6[%rem3A_240, %dma_wait3A_662, %dma_wait3A_671, %dma_wait3A_672] : memref<2x8x128x32xf32, #tpu.memory_space<vmem>> -> memref<1x1x128x32xf32, #tpu.memory_space<vmem>>
        %dma_wait3A_674 = tpu.memref_squeeze %dma_wait3A_673 : memref<1x1x128x32xf32, #tpu.memory_space<vmem>> -> memref<128x32xf32, #tpu.memory_space<vmem>>
        tpu.wait_dma2 semaphore(%arg8 : memref<!tpu.dma_semaphore, #tpu.memory_space<semaphore_mem>>) src(%dma_wait3A_674 : memref<128x32xf32, #tpu.memory_space<vmem>>) dst(%dma_wait3A_670 : memref<128x32xf32, #tpu.memory_space<hbm>>)
        %dma_wait3A_675 = arith.constant 5 : i32
        %dma_wait3A_676 = arith.constant 0 : i32
        %dma_wait3A_677 = arith.constant 0 : i32
        %dma_wait3A_678 = tpu.memref_slice %arg6[%rem3A_240, %dma_wait3A_675, %dma_wait3A_676, %dma_wait3A_677] : memref<2x8x128x32xf32, #tpu.memory_space<vmem>> -> memref<1x1x128x32xf32, #tpu.memory_space<vmem>>
        %dma_wait3A_679 = tpu.memref_squeeze %dma_wait3A_678 : memref<1x1x128x32xf32, #tpu.memory_space<vmem>> -> memref<128x32xf32, #tpu.memory_space<vmem>>
        %dma_wait3A_680 = arith.constant 0 : i32
        %dma_wait3A_681 = tpu.memref_slice %arg4[%mul3A_9, %dma_wait3A_680] : memref<425984x32xf32, #tpu.memory_space<hbm>> -> memref<128x32xf32, #tpu.memory_space<hbm>>
        %dma_wait3A_682 = arith.constant 0 : i32
        %dma_wait3A_683 = tpu.memref_slice %arg4[%mul3A_9, %dma_wait3A_682] : memref<425984x32xf32, #tpu.memory_space<hbm>> -> memref<128x32xf32, #tpu.memory_space<hbm>>
        %dma_wait3A_684 = arith.constant 0 : i32
        %dma_wait3A_685 = arith.constant 0 : i32
        %dma_wait3A_686 = tpu.memref_slice %arg6[%rem3A_240, %dma_wait3A_675, %dma_wait3A_684, %dma_wait3A_685] : memref<2x8x128x32xf32, #tpu.memory_space<vmem>> -> memref<1x1x128x32xf32, #tpu.memory_space<vmem>>
        %dma_wait3A_687 = tpu.memref_squeeze %dma_wait3A_686 : memref<1x1x128x32xf32, #tpu.memory_space<vmem>> -> memref<128x32xf32, #tpu.memory_space<vmem>>
        tpu.wait_dma2 semaphore(%arg8 : memref<!tpu.dma_semaphore, #tpu.memory_space<semaphore_mem>>) src(%dma_wait3A_687 : memref<128x32xf32, #tpu.memory_space<vmem>>) dst(%dma_wait3A_683 : memref<128x32xf32, #tpu.memory_space<hbm>>)
        %dma_wait3A_688 = arith.constant 6 : i32
        %dma_wait3A_689 = arith.constant 0 : i32
        %dma_wait3A_690 = arith.constant 0 : i32
        %dma_wait3A_691 = tpu.memref_slice %arg6[%rem3A_240, %dma_wait3A_688, %dma_wait3A_689, %dma_wait3A_690] : memref<2x8x128x32xf32, #tpu.memory_space<vmem>> -> memref<1x1x128x32xf32, #tpu.memory_space<vmem>>
        %dma_wait3A_692 = tpu.memref_squeeze %dma_wait3A_691 : memref<1x1x128x32xf32, #tpu.memory_space<vmem>> -> memref<128x32xf32, #tpu.memory_space<vmem>>
        %dma_wait3A_693 = arith.constant 0 : i32
        %dma_wait3A_694 = tpu.memref_slice %arg4[%mul3A_9, %dma_wait3A_693] : memref<425984x32xf32, #tpu.memory_space<hbm>> -> memref<128x32xf32, #tpu.memory_space<hbm>>
        %dma_wait3A_695 = arith.constant 0 : i32
        %dma_wait3A_696 = tpu.memref_slice %arg4[%mul3A_9, %dma_wait3A_695] : memref<425984x32xf32, #tpu.memory_space<hbm>> -> memref<128x32xf32, #tpu.memory_space<hbm>>
        %dma_wait3A_697 = arith.constant 0 : i32
        %dma_wait3A_698 = arith.constant 0 : i32
        %dma_wait3A_699 = tpu.memref_slice %arg6[%rem3A_240, %dma_wait3A_688, %dma_wait3A_697, %dma_wait3A_698] : memref<2x8x128x32xf32, #tpu.memory_space<vmem>> -> memref<1x1x128x32xf32, #tpu.memory_space<vmem>>
        %dma_wait3A_700 = tpu.memref_squeeze %dma_wait3A_699 : memref<1x1x128x32xf32, #tpu.memory_space<vmem>> -> memref<128x32xf32, #tpu.memory_space<vmem>>
        tpu.wait_dma2 semaphore(%arg8 : memref<!tpu.dma_semaphore, #tpu.memory_space<semaphore_mem>>) src(%dma_wait3A_700 : memref<128x32xf32, #tpu.memory_space<vmem>>) dst(%dma_wait3A_696 : memref<128x32xf32, #tpu.memory_space<hbm>>)
        %dma_wait3A_701 = arith.constant 7 : i32
        %dma_wait3A_702 = arith.constant 0 : i32
        %dma_wait3A_703 = arith.constant 0 : i32
        %dma_wait3A_704 = tpu.memref_slice %arg6[%rem3A_240, %dma_wait3A_701, %dma_wait3A_702, %dma_wait3A_703] : memref<2x8x128x32xf32, #tpu.memory_space<vmem>> -> memref<1x1x128x32xf32, #tpu.memory_space<vmem>>
        %dma_wait3A_705 = tpu.memref_squeeze %dma_wait3A_704 : memref<1x1x128x32xf32, #tpu.memory_space<vmem>> -> memref<128x32xf32, #tpu.memory_space<vmem>>
        %dma_wait3A_706 = arith.constant 0 : i32
        %dma_wait3A_707 = tpu.memref_slice %arg4[%mul3A_9, %dma_wait3A_706] : memref<425984x32xf32, #tpu.memory_space<hbm>> -> memref<128x32xf32, #tpu.memory_space<hbm>>
        %dma_wait3A_708 = arith.constant 0 : i32
        %dma_wait3A_709 = tpu.memref_slice %arg4[%mul3A_9, %dma_wait3A_708] : memref<425984x32xf32, #tpu.memory_space<hbm>> -> memref<128x32xf32, #tpu.memory_space<hbm>>
        %dma_wait3A_710 = arith.constant 0 : i32
        %dma_wait3A_711 = arith.constant 0 : i32
        %dma_wait3A_712 = tpu.memref_slice %arg6[%rem3A_240, %dma_wait3A_701, %dma_wait3A_710, %dma_wait3A_711] : memref<2x8x128x32xf32, #tpu.memory_space<vmem>> -> memref<1x1x128x32xf32, #tpu.memory_space<vmem>>
        %dma_wait3A_713 = tpu.memref_squeeze %dma_wait3A_712 : memref<1x1x128x32xf32, #tpu.memory_space<vmem>> -> memref<128x32xf32, #tpu.memory_space<vmem>>
        tpu.wait_dma2 semaphore(%arg8 : memref<!tpu.dma_semaphore, #tpu.memory_space<semaphore_mem>>) src(%dma_wait3A_713 : memref<128x32xf32, #tpu.memory_space<vmem>>) dst(%dma_wait3A_709 : memref<128x32xf32, #tpu.memory_space<hbm>>)
      } else {
      }
      %mul3A_243 = arith.constant 8 : i32
      %mul3A_244 = arith.muli %scan3A_239, %mul3A_243 : i32
      %add3A_245 = arith.constant 0 : i32
      %add3A_246 = arith.addi %mul3A_244, %add3A_245 : i32
      %dma_start3A = arith.constant 0 : i32
      %dma_start3A_247 = arith.constant 0 : i32
      %dma_start3A_248 = arith.constant 0 : i32
      %dma_start3A_249 = tpu.memref_slice %arg6[%rem3A_240, %dma_start3A, %dma_start3A_247, %dma_start3A_248] : memref<2x8x128x32xf32, #tpu.memory_space<vmem>> -> memref<1x1x128x32xf32, #tpu.memory_space<vmem>>
      %dma_start3A_250 = tpu.memref_squeeze %dma_start3A_249 : memref<1x1x128x32xf32, #tpu.memory_space<vmem>> -> memref<128x32xf32, #tpu.memory_space<vmem>>
      %dma_start3A_251 = arith.constant 0 : i32
      %dma_start3A_252 = tpu.memref_slice %arg5[%add3A_246, %dma_start3A_251] : memref<104x128xi32, #tpu.memory_space<vmem>> -> memref<1x128xi32, #tpu.memory_space<vmem>>
      %dma_start3A_253 = tpu.memref_squeeze %dma_start3A_252 : memref<1x128xi32, #tpu.memory_space<vmem>> -> memref<128xi32, #tpu.memory_space<vmem>>
      %dma_start3A_254 = arith.constant 0 : i32
      %dma_start3A_255 = arith.constant 0 : i32
      %dma_start3A_256 = tpu.memref_slice %arg3[%dma_start3A_254, %dma_start3A_255] : memref<2600000x32xf32, #tpu.memory_space<hbm>> -> memref<2600000x32xf32, #tpu.memory_space<hbm>>
      tpu.enqueue_indirect_dma source(%dma_start3A_256 : memref<2600000x32xf32, #tpu.memory_space<hbm>>) target(%dma_start3A_250 : memref<128x32xf32, #tpu.memory_space<vmem>>) offsets(%dma_start3A_253 : memref<128xi32, #tpu.memory_space<vmem>>) semaphore(%arg7 : memref<!tpu.dma_semaphore, #tpu.memory_space<semaphore_mem>>)
      %mul3A_257 = arith.constant 8 : i32
      %mul3A_258 = arith.muli %scan3A_239, %mul3A_257 : i32
      %add3A_259 = arith.constant 1 : i32
      %add3A_260 = arith.addi %mul3A_258, %add3A_259 : i32
      %dma_start3A_261 = arith.constant 1 : i32
      %dma_start3A_262 = arith.constant 0 : i32
      %dma_start3A_263 = arith.constant 0 : i32
      %dma_start3A_264 = tpu.memref_slice %arg6[%rem3A_240, %dma_start3A_261, %dma_start3A_262, %dma_start3A_263] : memref<2x8x128x32xf32, #tpu.memory_space<vmem>> -> memref<1x1x128x32xf32, #tpu.memory_space<vmem>>
      %dma_start3A_265 = tpu.memref_squeeze %dma_start3A_264 : memref<1x1x128x32xf32, #tpu.memory_space<vmem>> -> memref<128x32xf32, #tpu.memory_space<vmem>>
      %dma_start3A_266 = arith.constant 0 : i32
      %dma_start3A_267 = tpu.memref_slice %arg5[%add3A_260, %dma_start3A_266] : memref<104x128xi32, #tpu.memory_space<vmem>> -> memref<1x128xi32, #tpu.memory_space<vmem>>
      %dma_start3A_268 = tpu.memref_squeeze %dma_start3A_267 : memref<1x128xi32, #tpu.memory_space<vmem>> -> memref<128xi32, #tpu.memory_space<vmem>>
      %dma_start3A_269 = arith.constant 0 : i32
      %dma_start3A_270 = arith.constant 0 : i32
      %dma_start3A_271 = tpu.memref_slice %arg3[%dma_start3A_269, %dma_start3A_270] : memref<2600000x32xf32, #tpu.memory_space<hbm>> -> memref<2600000x32xf32, #tpu.memory_space<hbm>>
      tpu.enqueue_indirect_dma source(%dma_start3A_271 : memref<2600000x32xf32, #tpu.memory_space<hbm>>) target(%dma_start3A_265 : memref<128x32xf32, #tpu.memory_space<vmem>>) offsets(%dma_start3A_268 : memref<128xi32, #tpu.memory_space<vmem>>) semaphore(%arg7 : memref<!tpu.dma_semaphore, #tpu.memory_space<semaphore_mem>>)
      %mul3A_272 = arith.constant 8 : i32
      %mul3A_273 = arith.muli %scan3A_239, %mul3A_272 : i32
      %add3A_274 = arith.constant 2 : i32
      %add3A_275 = arith.addi %mul3A_273, %add3A_274 : i32
      %dma_start3A_276 = arith.constant 2 : i32
      %dma_start3A_277 = arith.constant 0 : i32
      %dma_start3A_278 = arith.constant 0 : i32
      %dma_start3A_279 = tpu.memref_slice %arg6[%rem3A_240, %dma_start3A_276, %dma_start3A_277, %dma_start3A_278] : memref<2x8x128x32xf32, #tpu.memory_space<vmem>> -> memref<1x1x128x32xf32, #tpu.memory_space<vmem>>
      %dma_start3A_280 = tpu.memref_squeeze %dma_start3A_279 : memref<1x1x128x32xf32, #tpu.memory_space<vmem>> -> memref<128x32xf32, #tpu.memory_space<vmem>>
      %dma_start3A_281 = arith.constant 0 : i32
      %dma_start3A_282 = tpu.memref_slice %arg5[%add3A_275, %dma_start3A_281] : memref<104x128xi32, #tpu.memory_space<vmem>> -> memref<1x128xi32, #tpu.memory_space<vmem>>
      %dma_start3A_283 = tpu.memref_squeeze %dma_start3A_282 : memref<1x128xi32, #tpu.memory_space<vmem>> -> memref<128xi32, #tpu.memory_space<vmem>>
      %dma_start3A_284 = arith.constant 0 : i32
      %dma_start3A_285 = arith.constant 0 : i32
      %dma_start3A_286 = tpu.memref_slice %arg3[%dma_start3A_284, %dma_start3A_285] : memref<2600000x32xf32, #tpu.memory_space<hbm>> -> memref<2600000x32xf32, #tpu.memory_space<hbm>>
      tpu.enqueue_indirect_dma source(%dma_start3A_286 : memref<2600000x32xf32, #tpu.memory_space<hbm>>) target(%dma_start3A_280 : memref<128x32xf32, #tpu.memory_space<vmem>>) offsets(%dma_start3A_283 : memref<128xi32, #tpu.memory_space<vmem>>) semaphore(%arg7 : memref<!tpu.dma_semaphore, #tpu.memory_space<semaphore_mem>>)
      %mul3A_287 = arith.constant 8 : i32
      %mul3A_288 = arith.muli %scan3A_239, %mul3A_287 : i32
      %add3A_289 = arith.constant 3 : i32
      %add3A_290 = arith.addi %mul3A_288, %add3A_289 : i32
      %dma_start3A_291 = arith.constant 3 : i32
      %dma_start3A_292 = arith.constant 0 : i32
      %dma_start3A_293 = arith.constant 0 : i32
      %dma_start3A_294 = tpu.memref_slice %arg6[%rem3A_240, %dma_start3A_291, %dma_start3A_292, %dma_start3A_293] : memref<2x8x128x32xf32, #tpu.memory_space<vmem>> -> memref<1x1x128x32xf32, #tpu.memory_space<vmem>>
      %dma_start3A_295 = tpu.memref_squeeze %dma_start3A_294 : memref<1x1x128x32xf32, #tpu.memory_space<vmem>> -> memref<128x32xf32, #tpu.memory_space<vmem>>
      %dma_start3A_296 = arith.constant 0 : i32
      %dma_start3A_297 = tpu.memref_slice %arg5[%add3A_290, %dma_start3A_296] : memref<104x128xi32, #tpu.memory_space<vmem>> -> memref<1x128xi32, #tpu.memory_space<vmem>>
      %dma_start3A_298 = tpu.memref_squeeze %dma_start3A_297 : memref<1x128xi32, #tpu.memory_space<vmem>> -> memref<128xi32, #tpu.memory_space<vmem>>
      %dma_start3A_299 = arith.constant 0 : i32
      %dma_start3A_300 = arith.constant 0 : i32
      %dma_start3A_301 = tpu.memref_slice %arg3[%dma_start3A_299, %dma_start3A_300] : memref<2600000x32xf32, #tpu.memory_space<hbm>> -> memref<2600000x32xf32, #tpu.memory_space<hbm>>
      tpu.enqueue_indirect_dma source(%dma_start3A_301 : memref<2600000x32xf32, #tpu.memory_space<hbm>>) target(%dma_start3A_295 : memref<128x32xf32, #tpu.memory_space<vmem>>) offsets(%dma_start3A_298 : memref<128xi32, #tpu.memory_space<vmem>>) semaphore(%arg7 : memref<!tpu.dma_semaphore, #tpu.memory_space<semaphore_mem>>)
      %mul3A_302 = arith.constant 8 : i32
      %mul3A_303 = arith.muli %scan3A_239, %mul3A_302 : i32
      %add3A_304 = arith.constant 4 : i32
      %add3A_305 = arith.addi %mul3A_303, %add3A_304 : i32
      %dma_start3A_306 = arith.constant 4 : i32
      %dma_start3A_307 = arith.constant 0 : i32
      %dma_start3A_308 = arith.constant 0 : i32
      %dma_start3A_309 = tpu.memref_slice %arg6[%rem3A_240, %dma_start3A_306, %dma_start3A_307, %dma_start3A_308] : memref<2x8x128x32xf32, #tpu.memory_space<vmem>> -> memref<1x1x128x32xf32, #tpu.memory_space<vmem>>
      %dma_start3A_310 = tpu.memref_squeeze %dma_start3A_309 : memref<1x1x128x32xf32, #tpu.memory_space<vmem>> -> memref<128x32xf32, #tpu.memory_space<vmem>>
      %dma_start3A_311 = arith.constant 0 : i32
      %dma_start3A_312 = tpu.memref_slice %arg5[%add3A_305, %dma_start3A_311] : memref<104x128xi32, #tpu.memory_space<vmem>> -> memref<1x128xi32, #tpu.memory_space<vmem>>
      %dma_start3A_313 = tpu.memref_squeeze %dma_start3A_312 : memref<1x128xi32, #tpu.memory_space<vmem>> -> memref<128xi32, #tpu.memory_space<vmem>>
      %dma_start3A_314 = arith.constant 0 : i32
      %dma_start3A_315 = arith.constant 0 : i32
      %dma_start3A_316 = tpu.memref_slice %arg3[%dma_start3A_314, %dma_start3A_315] : memref<2600000x32xf32, #tpu.memory_space<hbm>> -> memref<2600000x32xf32, #tpu.memory_space<hbm>>
      tpu.enqueue_indirect_dma source(%dma_start3A_316 : memref<2600000x32xf32, #tpu.memory_space<hbm>>) target(%dma_start3A_310 : memref<128x32xf32, #tpu.memory_space<vmem>>) offsets(%dma_start3A_313 : memref<128xi32, #tpu.memory_space<vmem>>) semaphore(%arg7 : memref<!tpu.dma_semaphore, #tpu.memory_space<semaphore_mem>>)
      %mul3A_317 = arith.constant 8 : i32
      %mul3A_318 = arith.muli %scan3A_239, %mul3A_317 : i32
      %add3A_319 = arith.constant 5 : i32
      %add3A_320 = arith.addi %mul3A_318, %add3A_319 : i32
      %dma_start3A_321 = arith.constant 5 : i32
      %dma_start3A_322 = arith.constant 0 : i32
      %dma_start3A_323 = arith.constant 0 : i32
      %dma_start3A_324 = tpu.memref_slice %arg6[%rem3A_240, %dma_start3A_321, %dma_start3A_322, %dma_start3A_323] : memref<2x8x128x32xf32, #tpu.memory_space<vmem>> -> memref<1x1x128x32xf32, #tpu.memory_space<vmem>>
      %dma_start3A_325 = tpu.memref_squeeze %dma_start3A_324 : memref<1x1x128x32xf32, #tpu.memory_space<vmem>> -> memref<128x32xf32, #tpu.memory_space<vmem>>
      %dma_start3A_326 = arith.constant 0 : i32
      %dma_start3A_327 = tpu.memref_slice %arg5[%add3A_320, %dma_start3A_326] : memref<104x128xi32, #tpu.memory_space<vmem>> -> memref<1x128xi32, #tpu.memory_space<vmem>>
      %dma_start3A_328 = tpu.memref_squeeze %dma_start3A_327 : memref<1x128xi32, #tpu.memory_space<vmem>> -> memref<128xi32, #tpu.memory_space<vmem>>
      %dma_start3A_329 = arith.constant 0 : i32
      %dma_start3A_330 = arith.constant 0 : i32
      %dma_start3A_331 = tpu.memref_slice %arg3[%dma_start3A_329, %dma_start3A_330] : memref<2600000x32xf32, #tpu.memory_space<hbm>> -> memref<2600000x32xf32, #tpu.memory_space<hbm>>
      tpu.enqueue_indirect_dma source(%dma_start3A_331 : memref<2600000x32xf32, #tpu.memory_space<hbm>>) target(%dma_start3A_325 : memref<128x32xf32, #tpu.memory_space<vmem>>) offsets(%dma_start3A_328 : memref<128xi32, #tpu.memory_space<vmem>>) semaphore(%arg7 : memref<!tpu.dma_semaphore, #tpu.memory_space<semaphore_mem>>)
      %mul3A_332 = arith.constant 8 : i32
      %mul3A_333 = arith.muli %scan3A_239, %mul3A_332 : i32
      %add3A_334 = arith.constant 6 : i32
      %add3A_335 = arith.addi %mul3A_333, %add3A_334 : i32
      %dma_start3A_336 = arith.constant 6 : i32
      %dma_start3A_337 = arith.constant 0 : i32
      %dma_start3A_338 = arith.constant 0 : i32
      %dma_start3A_339 = tpu.memref_slice %arg6[%rem3A_240, %dma_start3A_336, %dma_start3A_337, %dma_start3A_338] : memref<2x8x128x32xf32, #tpu.memory_space<vmem>> -> memref<1x1x128x32xf32, #tpu.memory_space<vmem>>
      %dma_start3A_340 = tpu.memref_squeeze %dma_start3A_339 : memref<1x1x128x32xf32, #tpu.memory_space<vmem>> -> memref<128x32xf32, #tpu.memory_space<vmem>>
      %dma_start3A_341 = arith.constant 0 : i32
      %dma_start3A_342 = tpu.memref_slice %arg5[%add3A_335, %dma_start3A_341] : memref<104x128xi32, #tpu.memory_space<vmem>> -> memref<1x128xi32, #tpu.memory_space<vmem>>
      %dma_start3A_343 = tpu.memref_squeeze %dma_start3A_342 : memref<1x128xi32, #tpu.memory_space<vmem>> -> memref<128xi32, #tpu.memory_space<vmem>>
      %dma_start3A_344 = arith.constant 0 : i32
      %dma_start3A_345 = arith.constant 0 : i32
      %dma_start3A_346 = tpu.memref_slice %arg3[%dma_start3A_344, %dma_start3A_345] : memref<2600000x32xf32, #tpu.memory_space<hbm>> -> memref<2600000x32xf32, #tpu.memory_space<hbm>>
      tpu.enqueue_indirect_dma source(%dma_start3A_346 : memref<2600000x32xf32, #tpu.memory_space<hbm>>) target(%dma_start3A_340 : memref<128x32xf32, #tpu.memory_space<vmem>>) offsets(%dma_start3A_343 : memref<128xi32, #tpu.memory_space<vmem>>) semaphore(%arg7 : memref<!tpu.dma_semaphore, #tpu.memory_space<semaphore_mem>>)
      %mul3A_347 = arith.constant 8 : i32
      %mul3A_348 = arith.muli %scan3A_239, %mul3A_347 : i32
      %add3A_349 = arith.constant 7 : i32
      %add3A_350 = arith.addi %mul3A_348, %add3A_349 : i32
      %dma_start3A_351 = arith.constant 7 : i32
      %dma_start3A_352 = arith.constant 0 : i32
      %dma_start3A_353 = arith.constant 0 : i32
      %dma_start3A_354 = tpu.memref_slice %arg6[%rem3A_240, %dma_start3A_351, %dma_start3A_352, %dma_start3A_353] : memref<2x8x128x32xf32, #tpu.memory_space<vmem>> -> memref<1x1x128x32xf32, #tpu.memory_space<vmem>>
      %dma_start3A_355 = tpu.memref_squeeze %dma_start3A_354 : memref<1x1x128x32xf32, #tpu.memory_space<vmem>> -> memref<128x32xf32, #tpu.memory_space<vmem>>
      %dma_start3A_356 = arith.constant 0 : i32
      %dma_start3A_357 = tpu.memref_slice %arg5[%add3A_350, %dma_start3A_356] : memref<104x128xi32, #tpu.memory_space<vmem>> -> memref<1x128xi32, #tpu.memory_space<vmem>>
      %dma_start3A_358 = tpu.memref_squeeze %dma_start3A_357 : memref<1x128xi32, #tpu.memory_space<vmem>> -> memref<128xi32, #tpu.memory_space<vmem>>
      %dma_start3A_359 = arith.constant 0 : i32
      %dma_start3A_360 = arith.constant 0 : i32
      %dma_start3A_361 = tpu.memref_slice %arg3[%dma_start3A_359, %dma_start3A_360] : memref<2600000x32xf32, #tpu.memory_space<hbm>> -> memref<2600000x32xf32, #tpu.memory_space<hbm>>
      tpu.enqueue_indirect_dma source(%dma_start3A_361 : memref<2600000x32xf32, #tpu.memory_space<hbm>>) target(%dma_start3A_355 : memref<128x32xf32, #tpu.memory_space<vmem>>) offsets(%dma_start3A_358 : memref<128xi32, #tpu.memory_space<vmem>>) semaphore(%arg7 : memref<!tpu.dma_semaphore, #tpu.memory_space<semaphore_mem>>)
      %dma_wait3A_362 = arith.constant 0 : i32
      %dma_wait3A_363 = arith.constant 0 : i32
      %dma_wait3A_364 = arith.constant 0 : i32
      %dma_wait3A_365 = tpu.memref_slice %arg6[%rem3A_240, %dma_wait3A_362, %dma_wait3A_363, %dma_wait3A_364] : memref<2x8x128x32xf32, #tpu.memory_space<vmem>> -> memref<1x1x128x32xf32, #tpu.memory_space<vmem>>
      %dma_wait3A_366 = tpu.memref_squeeze %dma_wait3A_365 : memref<1x1x128x32xf32, #tpu.memory_space<vmem>> -> memref<128x32xf32, #tpu.memory_space<vmem>>
      %dma_wait3A_367 = arith.constant 0 : i32
      %dma_wait3A_368 = tpu.memref_slice %arg5[%add3A_246, %dma_wait3A_367] : memref<104x128xi32, #tpu.memory_space<vmem>> -> memref<1x128xi32, #tpu.memory_space<vmem>>
      %dma_wait3A_369 = tpu.memref_squeeze %dma_wait3A_368 : memref<1x128xi32, #tpu.memory_space<vmem>> -> memref<128xi32, #tpu.memory_space<vmem>>
      %dma_wait3A_370 = arith.constant 0 : i32
      %dma_wait3A_371 = arith.constant 0 : i32
      %dma_wait3A_372 = tpu.memref_slice %arg3[%dma_wait3A_370, %dma_wait3A_371] : memref<2600000x32xf32, #tpu.memory_space<hbm>> -> memref<2600000x32xf32, #tpu.memory_space<hbm>>
      tpu.wait_indirect_dma semaphore(%arg7 : memref<!tpu.dma_semaphore, #tpu.memory_space<semaphore_mem>>) src(%dma_wait3A_372 : memref<2600000x32xf32, #tpu.memory_space<hbm>>) dst(%dma_wait3A_366 : memref<128x32xf32, #tpu.memory_space<vmem>>)
      %dma_wait3A_373 = arith.constant 1 : i32
      %dma_wait3A_374 = arith.constant 0 : i32
      %dma_wait3A_375 = arith.constant 0 : i32
      %dma_wait3A_376 = tpu.memref_slice %arg6[%rem3A_240, %dma_wait3A_373, %dma_wait3A_374, %dma_wait3A_375] : memref<2x8x128x32xf32, #tpu.memory_space<vmem>> -> memref<1x1x128x32xf32, #tpu.memory_space<vmem>>
      %dma_wait3A_377 = tpu.memref_squeeze %dma_wait3A_376 : memref<1x1x128x32xf32, #tpu.memory_space<vmem>> -> memref<128x32xf32, #tpu.memory_space<vmem>>
      %dma_wait3A_378 = arith.constant 0 : i32
      %dma_wait3A_379 = tpu.memref_slice %arg5[%add3A_260, %dma_wait3A_378] : memref<104x128xi32, #tpu.memory_space<vmem>> -> memref<1x128xi32, #tpu.memory_space<vmem>>
      %dma_wait3A_380 = tpu.memref_squeeze %dma_wait3A_379 : memref<1x128xi32, #tpu.memory_space<vmem>> -> memref<128xi32, #tpu.memory_space<vmem>>
      %dma_wait3A_381 = arith.constant 0 : i32
      %dma_wait3A_382 = arith.constant 0 : i32
      %dma_wait3A_383 = tpu.memref_slice %arg3[%dma_wait3A_381, %dma_wait3A_382] : memref<2600000x32xf32, #tpu.memory_space<hbm>> -> memref<2600000x32xf32, #tpu.memory_space<hbm>>
      tpu.wait_indirect_dma semaphore(%arg7 : memref<!tpu.dma_semaphore, #tpu.memory_space<semaphore_mem>>) src(%dma_wait3A_383 : memref<2600000x32xf32, #tpu.memory_space<hbm>>) dst(%dma_wait3A_377 : memref<128x32xf32, #tpu.memory_space<vmem>>)
      %dma_wait3A_384 = arith.constant 2 : i32
      %dma_wait3A_385 = arith.constant 0 : i32
      %dma_wait3A_386 = arith.constant 0 : i32
      %dma_wait3A_387 = tpu.memref_slice %arg6[%rem3A_240, %dma_wait3A_384, %dma_wait3A_385, %dma_wait3A_386] : memref<2x8x128x32xf32, #tpu.memory_space<vmem>> -> memref<1x1x128x32xf32, #tpu.memory_space<vmem>>
      %dma_wait3A_388 = tpu.memref_squeeze %dma_wait3A_387 : memref<1x1x128x32xf32, #tpu.memory_space<vmem>> -> memref<128x32xf32, #tpu.memory_space<vmem>>
      %dma_wait3A_389 = arith.constant 0 : i32
      %dma_wait3A_390 = tpu.memref_slice %arg5[%add3A_275, %dma_wait3A_389] : memref<104x128xi32, #tpu.memory_space<vmem>> -> memref<1x128xi32, #tpu.memory_space<vmem>>
      %dma_wait3A_391 = tpu.memref_squeeze %dma_wait3A_390 : memref<1x128xi32, #tpu.memory_space<vmem>> -> memref<128xi32, #tpu.memory_space<vmem>>
      %dma_wait3A_392 = arith.constant 0 : i32
      %dma_wait3A_393 = arith.constant 0 : i32
      %dma_wait3A_394 = tpu.memref_slice %arg3[%dma_wait3A_392, %dma_wait3A_393] : memref<2600000x32xf32, #tpu.memory_space<hbm>> -> memref<2600000x32xf32, #tpu.memory_space<hbm>>
      tpu.wait_indirect_dma semaphore(%arg7 : memref<!tpu.dma_semaphore, #tpu.memory_space<semaphore_mem>>) src(%dma_wait3A_394 : memref<2600000x32xf32, #tpu.memory_space<hbm>>) dst(%dma_wait3A_388 : memref<128x32xf32, #tpu.memory_space<vmem>>)
      %dma_wait3A_395 = arith.constant 3 : i32
      %dma_wait3A_396 = arith.constant 0 : i32
      %dma_wait3A_397 = arith.constant 0 : i32
      %dma_wait3A_398 = tpu.memref_slice %arg6[%rem3A_240, %dma_wait3A_395, %dma_wait3A_396, %dma_wait3A_397] : memref<2x8x128x32xf32, #tpu.memory_space<vmem>> -> memref<1x1x128x32xf32, #tpu.memory_space<vmem>>
      %dma_wait3A_399 = tpu.memref_squeeze %dma_wait3A_398 : memref<1x1x128x32xf32, #tpu.memory_space<vmem>> -> memref<128x32xf32, #tpu.memory_space<vmem>>
      %dma_wait3A_400 = arith.constant 0 : i32
      %dma_wait3A_401 = tpu.memref_slice %arg5[%add3A_290, %dma_wait3A_400] : memref<104x128xi32, #tpu.memory_space<vmem>> -> memref<1x128xi32, #tpu.memory_space<vmem>>
      %dma_wait3A_402 = tpu.memref_squeeze %dma_wait3A_401 : memref<1x128xi32, #tpu.memory_space<vmem>> -> memref<128xi32, #tpu.memory_space<vmem>>
      %dma_wait3A_403 = arith.constant 0 : i32
      %dma_wait3A_404 = arith.constant 0 : i32
      %dma_wait3A_405 = tpu.memref_slice %arg3[%dma_wait3A_403, %dma_wait3A_404] : memref<2600000x32xf32, #tpu.memory_space<hbm>> -> memref<2600000x32xf32, #tpu.memory_space<hbm>>
      tpu.wait_indirect_dma semaphore(%arg7 : memref<!tpu.dma_semaphore, #tpu.memory_space<semaphore_mem>>) src(%dma_wait3A_405 : memref<2600000x32xf32, #tpu.memory_space<hbm>>) dst(%dma_wait3A_399 : memref<128x32xf32, #tpu.memory_space<vmem>>)
      %dma_wait3A_406 = arith.constant 4 : i32
      %dma_wait3A_407 = arith.constant 0 : i32
      %dma_wait3A_408 = arith.constant 0 : i32
      %dma_wait3A_409 = tpu.memref_slice %arg6[%rem3A_240, %dma_wait3A_406, %dma_wait3A_407, %dma_wait3A_408] : memref<2x8x128x32xf32, #tpu.memory_space<vmem>> -> memref<1x1x128x32xf32, #tpu.memory_space<vmem>>
      %dma_wait3A_410 = tpu.memref_squeeze %dma_wait3A_409 : memref<1x1x128x32xf32, #tpu.memory_space<vmem>> -> memref<128x32xf32, #tpu.memory_space<vmem>>
      %dma_wait3A_411 = arith.constant 0 : i32
      %dma_wait3A_412 = tpu.memref_slice %arg5[%add3A_305, %dma_wait3A_411] : memref<104x128xi32, #tpu.memory_space<vmem>> -> memref<1x128xi32, #tpu.memory_space<vmem>>
      %dma_wait3A_413 = tpu.memref_squeeze %dma_wait3A_412 : memref<1x128xi32, #tpu.memory_space<vmem>> -> memref<128xi32, #tpu.memory_space<vmem>>
      %dma_wait3A_414 = arith.constant 0 : i32
      %dma_wait3A_415 = arith.constant 0 : i32
      %dma_wait3A_416 = tpu.memref_slice %arg3[%dma_wait3A_414, %dma_wait3A_415] : memref<2600000x32xf32, #tpu.memory_space<hbm>> -> memref<2600000x32xf32, #tpu.memory_space<hbm>>
      tpu.wait_indirect_dma semaphore(%arg7 : memref<!tpu.dma_semaphore, #tpu.memory_space<semaphore_mem>>) src(%dma_wait3A_416 : memref<2600000x32xf32, #tpu.memory_space<hbm>>) dst(%dma_wait3A_410 : memref<128x32xf32, #tpu.memory_space<vmem>>)
      %dma_wait3A_417 = arith.constant 5 : i32
      %dma_wait3A_418 = arith.constant 0 : i32
      %dma_wait3A_419 = arith.constant 0 : i32
      %dma_wait3A_420 = tpu.memref_slice %arg6[%rem3A_240, %dma_wait3A_417, %dma_wait3A_418, %dma_wait3A_419] : memref<2x8x128x32xf32, #tpu.memory_space<vmem>> -> memref<1x1x128x32xf32, #tpu.memory_space<vmem>>
      %dma_wait3A_421 = tpu.memref_squeeze %dma_wait3A_420 : memref<1x1x128x32xf32, #tpu.memory_space<vmem>> -> memref<128x32xf32, #tpu.memory_space<vmem>>
      %dma_wait3A_422 = arith.constant 0 : i32
      %dma_wait3A_423 = tpu.memref_slice %arg5[%add3A_320, %dma_wait3A_422] : memref<104x128xi32, #tpu.memory_space<vmem>> -> memref<1x128xi32, #tpu.memory_space<vmem>>
      %dma_wait3A_424 = tpu.memref_squeeze %dma_wait3A_423 : memref<1x128xi32, #tpu.memory_space<vmem>> -> memref<128xi32, #tpu.memory_space<vmem>>
      %dma_wait3A_425 = arith.constant 0 : i32
      %dma_wait3A_426 = arith.constant 0 : i32
      %dma_wait3A_427 = tpu.memref_slice %arg3[%dma_wait3A_425, %dma_wait3A_426] : memref<2600000x32xf32, #tpu.memory_space<hbm>> -> memref<2600000x32xf32, #tpu.memory_space<hbm>>
      tpu.wait_indirect_dma semaphore(%arg7 : memref<!tpu.dma_semaphore, #tpu.memory_space<semaphore_mem>>) src(%dma_wait3A_427 : memref<2600000x32xf32, #tpu.memory_space<hbm>>) dst(%dma_wait3A_421 : memref<128x32xf32, #tpu.memory_space<vmem>>)
      %dma_wait3A_428 = arith.constant 6 : i32
      %dma_wait3A_429 = arith.constant 0 : i32
      %dma_wait3A_430 = arith.constant 0 : i32
      %dma_wait3A_431 = tpu.memref_slice %arg6[%rem3A_240, %dma_wait3A_428, %dma_wait3A_429, %dma_wait3A_430] : memref<2x8x128x32xf32, #tpu.memory_space<vmem>> -> memref<1x1x128x32xf32, #tpu.memory_space<vmem>>
      %dma_wait3A_432 = tpu.memref_squeeze %dma_wait3A_431 : memref<1x1x128x32xf32, #tpu.memory_space<vmem>> -> memref<128x32xf32, #tpu.memory_space<vmem>>
      %dma_wait3A_433 = arith.constant 0 : i32
      %dma_wait3A_434 = tpu.memref_slice %arg5[%add3A_335, %dma_wait3A_433] : memref<104x128xi32, #tpu.memory_space<vmem>> -> memref<1x128xi32, #tpu.memory_space<vmem>>
      %dma_wait3A_435 = tpu.memref_squeeze %dma_wait3A_434 : memref<1x128xi32, #tpu.memory_space<vmem>> -> memref<128xi32, #tpu.memory_space<vmem>>
      %dma_wait3A_436 = arith.constant 0 : i32
      %dma_wait3A_437 = arith.constant 0 : i32
      %dma_wait3A_438 = tpu.memref_slice %arg3[%dma_wait3A_436, %dma_wait3A_437] : memref<2600000x32xf32, #tpu.memory_space<hbm>> -> memref<2600000x32xf32, #tpu.memory_space<hbm>>
      tpu.wait_indirect_dma semaphore(%arg7 : memref<!tpu.dma_semaphore, #tpu.memory_space<semaphore_mem>>) src(%dma_wait3A_438 : memref<2600000x32xf32, #tpu.memory_space<hbm>>) dst(%dma_wait3A_432 : memref<128x32xf32, #tpu.memory_space<vmem>>)
      %dma_wait3A_439 = arith.constant 7 : i32
      %dma_wait3A_440 = arith.constant 0 : i32
      %dma_wait3A_441 = arith.constant 0 : i32
      %dma_wait3A_442 = tpu.memref_slice %arg6[%rem3A_240, %dma_wait3A_439, %dma_wait3A_440, %dma_wait3A_441] : memref<2x8x128x32xf32, #tpu.memory_space<vmem>> -> memref<1x1x128x32xf32, #tpu.memory_space<vmem>>
      %dma_wait3A_443 = tpu.memref_squeeze %dma_wait3A_442 : memref<1x1x128x32xf32, #tpu.memory_space<vmem>> -> memref<128x32xf32, #tpu.memory_space<vmem>>
      %dma_wait3A_444 = arith.constant 0 : i32
      %dma_wait3A_445 = tpu.memref_slice %arg5[%add3A_350, %dma_wait3A_444] : memref<104x128xi32, #tpu.memory_space<vmem>> -> memref<1x128xi32, #tpu.memory_space<vmem>>
      %dma_wait3A_446 = tpu.memref_squeeze %dma_wait3A_445 : memref<1x128xi32, #tpu.memory_space<vmem>> -> memref<128xi32, #tpu.memory_space<vmem>>
      %dma_wait3A_447 = arith.constant 0 : i32
      %dma_wait3A_448 = arith.constant 0 : i32
      %dma_wait3A_449 = tpu.memref_slice %arg3[%dma_wait3A_447, %dma_wait3A_448] : memref<2600000x32xf32, #tpu.memory_space<hbm>> -> memref<2600000x32xf32, #tpu.memory_space<hbm>>
      tpu.wait_indirect_dma semaphore(%arg7 : memref<!tpu.dma_semaphore, #tpu.memory_space<semaphore_mem>>) src(%dma_wait3A_449 : memref<2600000x32xf32, #tpu.memory_space<hbm>>) dst(%dma_wait3A_443 : memref<128x32xf32, #tpu.memory_space<vmem>>)
      %mul3A_450 = arith.constant 8 : i32
      %mul3A_451 = arith.muli %scan3A_239, %mul3A_450 : i32
      %add3A_452 = arith.constant 0 : i32
      %add3A_453 = arith.addi %mul3A_451, %add3A_452 : i32
      %mul3A_454 = arith.constant 128 : i32
      %mul3A_455 = arith.muli %add3A_453, %mul3A_454 : i32
      %add3A_456 = arith.addi %mul3A_9, %mul3A_455 : i32
      %dma_start3A_457 = arith.constant 0 : i32
      %dma_start3A_458 = arith.constant 0 : i32
      %dma_start3A_459 = arith.constant 0 : i32
      %dma_start3A_460 = tpu.memref_slice %arg6[%rem3A_240, %dma_start3A_457, %dma_start3A_458, %dma_start3A_459] : memref<2x8x128x32xf32, #tpu.memory_space<vmem>> -> memref<1x1x128x32xf32, #tpu.memory_space<vmem>>
      %dma_start3A_461 = tpu.memref_squeeze %dma_start3A_460 : memref<1x1x128x32xf32, #tpu.memory_space<vmem>> -> memref<128x32xf32, #tpu.memory_space<vmem>>
      %dma_start3A_462 = arith.constant 0 : i32
      %dma_start3A_463 = tpu.memref_slice %arg4[%add3A_456, %dma_start3A_462] : memref<425984x32xf32, #tpu.memory_space<hbm>> -> memref<128x32xf32, #tpu.memory_space<hbm>>
      %dma_start3A_464 = arith.constant 0 : i32
      %dma_start3A_465 = tpu.memref_slice %arg4[%add3A_456, %dma_start3A_464] : memref<425984x32xf32, #tpu.memory_space<hbm>> -> memref<128x32xf32, #tpu.memory_space<hbm>>
      %dma_start3A_466 = arith.constant 0 : i32
      %dma_start3A_467 = arith.constant 0 : i32
      %dma_start3A_468 = tpu.memref_slice %arg6[%rem3A_240, %dma_start3A_457, %dma_start3A_466, %dma_start3A_467] : memref<2x8x128x32xf32, #tpu.memory_space<vmem>> -> memref<1x1x128x32xf32, #tpu.memory_space<vmem>>
      %dma_start3A_469 = tpu.memref_squeeze %dma_start3A_468 : memref<1x1x128x32xf32, #tpu.memory_space<vmem>> -> memref<128x32xf32, #tpu.memory_space<vmem>>
      tpu.enqueue_dma source(%dma_start3A_469 : memref<128x32xf32, #tpu.memory_space<vmem>>) target(%dma_start3A_465 : memref<128x32xf32, #tpu.memory_space<hbm>>) target_semaphore(%arg8 : memref<!tpu.dma_semaphore, #tpu.memory_space<semaphore_mem>>)
      %mul3A_470 = arith.constant 8 : i32
      %mul3A_471 = arith.muli %scan3A_239, %mul3A_470 : i32
      %add3A_472 = arith.constant 1 : i32
      %add3A_473 = arith.addi %mul3A_471, %add3A_472 : i32
      %mul3A_474 = arith.constant 128 : i32
      %mul3A_475 = arith.muli %add3A_473, %mul3A_474 : i32
      %add3A_476 = arith.addi %mul3A_9, %mul3A_475 : i32
      %dma_start3A_477 = arith.constant 1 : i32
      %dma_start3A_478 = arith.constant 0 : i32
      %dma_start3A_479 = arith.constant 0 : i32
      %dma_start3A_480 = tpu.memref_slice %arg6[%rem3A_240, %dma_start3A_477, %dma_start3A_478, %dma_start3A_479] : memref<2x8x128x32xf32, #tpu.memory_space<vmem>> -> memref<1x1x128x32xf32, #tpu.memory_space<vmem>>
      %dma_start3A_481 = tpu.memref_squeeze %dma_start3A_480 : memref<1x1x128x32xf32, #tpu.memory_space<vmem>> -> memref<128x32xf32, #tpu.memory_space<vmem>>
      %dma_start3A_482 = arith.constant 0 : i32
      %dma_start3A_483 = tpu.memref_slice %arg4[%add3A_476, %dma_start3A_482] : memref<425984x32xf32, #tpu.memory_space<hbm>> -> memref<128x32xf32, #tpu.memory_space<hbm>>
      %dma_start3A_484 = arith.constant 0 : i32
      %dma_start3A_485 = tpu.memref_slice %arg4[%add3A_476, %dma_start3A_484] : memref<425984x32xf32, #tpu.memory_space<hbm>> -> memref<128x32xf32, #tpu.memory_space<hbm>>
      %dma_start3A_486 = arith.constant 0 : i32
      %dma_start3A_487 = arith.constant 0 : i32
      %dma_start3A_488 = tpu.memref_slice %arg6[%rem3A_240, %dma_start3A_477, %dma_start3A_486, %dma_start3A_487] : memref<2x8x128x32xf32, #tpu.memory_space<vmem>> -> memref<1x1x128x32xf32, #tpu.memory_space<vmem>>
      %dma_start3A_489 = tpu.memref_squeeze %dma_start3A_488 : memref<1x1x128x32xf32, #tpu.memory_space<vmem>> -> memref<128x32xf32, #tpu.memory_space<vmem>>
      tpu.enqueue_dma source(%dma_start3A_489 : memref<128x32xf32, #tpu.memory_space<vmem>>) target(%dma_start3A_485 : memref<128x32xf32, #tpu.memory_space<hbm>>) target_semaphore(%arg8 : memref<!tpu.dma_semaphore, #tpu.memory_space<semaphore_mem>>)
      %mul3A_490 = arith.constant 8 : i32
      %mul3A_491 = arith.muli %scan3A_239, %mul3A_490 : i32
      %add3A_492 = arith.constant 2 : i32
      %add3A_493 = arith.addi %mul3A_491, %add3A_492 : i32
      %mul3A_494 = arith.constant 128 : i32
      %mul3A_495 = arith.muli %add3A_493, %mul3A_494 : i32
      %add3A_496 = arith.addi %mul3A_9, %mul3A_495 : i32
      %dma_start3A_497 = arith.constant 2 : i32
      %dma_start3A_498 = arith.constant 0 : i32
      %dma_start3A_499 = arith.constant 0 : i32
      %dma_start3A_500 = tpu.memref_slice %arg6[%rem3A_240, %dma_start3A_497, %dma_start3A_498, %dma_start3A_499] : memref<2x8x128x32xf32, #tpu.memory_space<vmem>> -> memref<1x1x128x32xf32, #tpu.memory_space<vmem>>
      %dma_start3A_501 = tpu.memref_squeeze %dma_start3A_500 : memref<1x1x128x32xf32, #tpu.memory_space<vmem>> -> memref<128x32xf32, #tpu.memory_space<vmem>>
      %dma_start3A_502 = arith.constant 0 : i32
      %dma_start3A_503 = tpu.memref_slice %arg4[%add3A_496, %dma_start3A_502] : memref<425984x32xf32, #tpu.memory_space<hbm>> -> memref<128x32xf32, #tpu.memory_space<hbm>>
      %dma_start3A_504 = arith.constant 0 : i32
      %dma_start3A_505 = tpu.memref_slice %arg4[%add3A_496, %dma_start3A_504] : memref<425984x32xf32, #tpu.memory_space<hbm>> -> memref<128x32xf32, #tpu.memory_space<hbm>>
      %dma_start3A_506 = arith.constant 0 : i32
      %dma_start3A_507 = arith.constant 0 : i32
      %dma_start3A_508 = tpu.memref_slice %arg6[%rem3A_240, %dma_start3A_497, %dma_start3A_506, %dma_start3A_507] : memref<2x8x128x32xf32, #tpu.memory_space<vmem>> -> memref<1x1x128x32xf32, #tpu.memory_space<vmem>>
      %dma_start3A_509 = tpu.memref_squeeze %dma_start3A_508 : memref<1x1x128x32xf32, #tpu.memory_space<vmem>> -> memref<128x32xf32, #tpu.memory_space<vmem>>
      tpu.enqueue_dma source(%dma_start3A_509 : memref<128x32xf32, #tpu.memory_space<vmem>>) target(%dma_start3A_505 : memref<128x32xf32, #tpu.memory_space<hbm>>) target_semaphore(%arg8 : memref<!tpu.dma_semaphore, #tpu.memory_space<semaphore_mem>>)
      %mul3A_510 = arith.constant 8 : i32
      %mul3A_511 = arith.muli %scan3A_239, %mul3A_510 : i32
      %add3A_512 = arith.constant 3 : i32
      %add3A_513 = arith.addi %mul3A_511, %add3A_512 : i32
      %mul3A_514 = arith.constant 128 : i32
      %mul3A_515 = arith.muli %add3A_513, %mul3A_514 : i32
      %add3A_516 = arith.addi %mul3A_9, %mul3A_515 : i32
      %dma_start3A_517 = arith.constant 3 : i32
      %dma_start3A_518 = arith.constant 0 : i32
      %dma_start3A_519 = arith.constant 0 : i32
      %dma_start3A_520 = tpu.memref_slice %arg6[%rem3A_240, %dma_start3A_517, %dma_start3A_518, %dma_start3A_519] : memref<2x8x128x32xf32, #tpu.memory_space<vmem>> -> memref<1x1x128x32xf32, #tpu.memory_space<vmem>>
      %dma_start3A_521 = tpu.memref_squeeze %dma_start3A_520 : memref<1x1x128x32xf32, #tpu.memory_space<vmem>> -> memref<128x32xf32, #tpu.memory_space<vmem>>
      %dma_start3A_522 = arith.constant 0 : i32
      %dma_start3A_523 = tpu.memref_slice %arg4[%add3A_516, %dma_start3A_522] : memref<425984x32xf32, #tpu.memory_space<hbm>> -> memref<128x32xf32, #tpu.memory_space<hbm>>
      %dma_start3A_524 = arith.constant 0 : i32
      %dma_start3A_525 = tpu.memref_slice %arg4[%add3A_516, %dma_start3A_524] : memref<425984x32xf32, #tpu.memory_space<hbm>> -> memref<128x32xf32, #tpu.memory_space<hbm>>
      %dma_start3A_526 = arith.constant 0 : i32
      %dma_start3A_527 = arith.constant 0 : i32
      %dma_start3A_528 = tpu.memref_slice %arg6[%rem3A_240, %dma_start3A_517, %dma_start3A_526, %dma_start3A_527] : memref<2x8x128x32xf32, #tpu.memory_space<vmem>> -> memref<1x1x128x32xf32, #tpu.memory_space<vmem>>
      %dma_start3A_529 = tpu.memref_squeeze %dma_start3A_528 : memref<1x1x128x32xf32, #tpu.memory_space<vmem>> -> memref<128x32xf32, #tpu.memory_space<vmem>>
      tpu.enqueue_dma source(%dma_start3A_529 : memref<128x32xf32, #tpu.memory_space<vmem>>) target(%dma_start3A_525 : memref<128x32xf32, #tpu.memory_space<hbm>>) target_semaphore(%arg8 : memref<!tpu.dma_semaphore, #tpu.memory_space<semaphore_mem>>)
      %mul3A_530 = arith.constant 8 : i32
      %mul3A_531 = arith.muli %scan3A_239, %mul3A_530 : i32
      %add3A_532 = arith.constant 4 : i32
      %add3A_533 = arith.addi %mul3A_531, %add3A_532 : i32
      %mul3A_534 = arith.constant 128 : i32
      %mul3A_535 = arith.muli %add3A_533, %mul3A_534 : i32
      %add3A_536 = arith.addi %mul3A_9, %mul3A_535 : i32
      %dma_start3A_537 = arith.constant 4 : i32
      %dma_start3A_538 = arith.constant 0 : i32
      %dma_start3A_539 = arith.constant 0 : i32
      %dma_start3A_540 = tpu.memref_slice %arg6[%rem3A_240, %dma_start3A_537, %dma_start3A_538, %dma_start3A_539] : memref<2x8x128x32xf32, #tpu.memory_space<vmem>> -> memref<1x1x128x32xf32, #tpu.memory_space<vmem>>
      %dma_start3A_541 = tpu.memref_squeeze %dma_start3A_540 : memref<1x1x128x32xf32, #tpu.memory_space<vmem>> -> memref<128x32xf32, #tpu.memory_space<vmem>>
      %dma_start3A_542 = arith.constant 0 : i32
      %dma_start3A_543 = tpu.memref_slice %arg4[%add3A_536, %dma_start3A_542] : memref<425984x32xf32, #tpu.memory_space<hbm>> -> memref<128x32xf32, #tpu.memory_space<hbm>>
      %dma_start3A_544 = arith.constant 0 : i32
      %dma_start3A_545 = tpu.memref_slice %arg4[%add3A_536, %dma_start3A_544] : memref<425984x32xf32, #tpu.memory_space<hbm>> -> memref<128x32xf32, #tpu.memory_space<hbm>>
      %dma_start3A_546 = arith.constant 0 : i32
      %dma_start3A_547 = arith.constant 0 : i32
      %dma_start3A_548 = tpu.memref_slice %arg6[%rem3A_240, %dma_start3A_537, %dma_start3A_546, %dma_start3A_547] : memref<2x8x128x32xf32, #tpu.memory_space<vmem>> -> memref<1x1x128x32xf32, #tpu.memory_space<vmem>>
      %dma_start3A_549 = tpu.memref_squeeze %dma_start3A_548 : memref<1x1x128x32xf32, #tpu.memory_space<vmem>> -> memref<128x32xf32, #tpu.memory_space<vmem>>
      tpu.enqueue_dma source(%dma_start3A_549 : memref<128x32xf32, #tpu.memory_space<vmem>>) target(%dma_start3A_545 : memref<128x32xf32, #tpu.memory_space<hbm>>) target_semaphore(%arg8 : memref<!tpu.dma_semaphore, #tpu.memory_space<semaphore_mem>>)
      %mul3A_550 = arith.constant 8 : i32
      %mul3A_551 = arith.muli %scan3A_239, %mul3A_550 : i32
      %add3A_552 = arith.constant 5 : i32
      %add3A_553 = arith.addi %mul3A_551, %add3A_552 : i32
      %mul3A_554 = arith.constant 128 : i32
      %mul3A_555 = arith.muli %add3A_553, %mul3A_554 : i32
      %add3A_556 = arith.addi %mul3A_9, %mul3A_555 : i32
      %dma_start3A_557 = arith.constant 5 : i32
      %dma_start3A_558 = arith.constant 0 : i32
      %dma_start3A_559 = arith.constant 0 : i32
      %dma_start3A_560 = tpu.memref_slice %arg6[%rem3A_240, %dma_start3A_557, %dma_start3A_558, %dma_start3A_559] : memref<2x8x128x32xf32, #tpu.memory_space<vmem>> -> memref<1x1x128x32xf32, #tpu.memory_space<vmem>>
      %dma_start3A_561 = tpu.memref_squeeze %dma_start3A_560 : memref<1x1x128x32xf32, #tpu.memory_space<vmem>> -> memref<128x32xf32, #tpu.memory_space<vmem>>
      %dma_start3A_562 = arith.constant 0 : i32
      %dma_start3A_563 = tpu.memref_slice %arg4[%add3A_556, %dma_start3A_562] : memref<425984x32xf32, #tpu.memory_space<hbm>> -> memref<128x32xf32, #tpu.memory_space<hbm>>
      %dma_start3A_564 = arith.constant 0 : i32
      %dma_start3A_565 = tpu.memref_slice %arg4[%add3A_556, %dma_start3A_564] : memref<425984x32xf32, #tpu.memory_space<hbm>> -> memref<128x32xf32, #tpu.memory_space<hbm>>
      %dma_start3A_566 = arith.constant 0 : i32
      %dma_start3A_567 = arith.constant 0 : i32
      %dma_start3A_568 = tpu.memref_slice %arg6[%rem3A_240, %dma_start3A_557, %dma_start3A_566, %dma_start3A_567] : memref<2x8x128x32xf32, #tpu.memory_space<vmem>> -> memref<1x1x128x32xf32, #tpu.memory_space<vmem>>
      %dma_start3A_569 = tpu.memref_squeeze %dma_start3A_568 : memref<1x1x128x32xf32, #tpu.memory_space<vmem>> -> memref<128x32xf32, #tpu.memory_space<vmem>>
      tpu.enqueue_dma source(%dma_start3A_569 : memref<128x32xf32, #tpu.memory_space<vmem>>) target(%dma_start3A_565 : memref<128x32xf32, #tpu.memory_space<hbm>>) target_semaphore(%arg8 : memref<!tpu.dma_semaphore, #tpu.memory_space<semaphore_mem>>)
      %mul3A_570 = arith.constant 8 : i32
      %mul3A_571 = arith.muli %scan3A_239, %mul3A_570 : i32
      %add3A_572 = arith.constant 6 : i32
      %add3A_573 = arith.addi %mul3A_571, %add3A_572 : i32
      %mul3A_574 = arith.constant 128 : i32
      %mul3A_575 = arith.muli %add3A_573, %mul3A_574 : i32
      %add3A_576 = arith.addi %mul3A_9, %mul3A_575 : i32
      %dma_start3A_577 = arith.constant 6 : i32
      %dma_start3A_578 = arith.constant 0 : i32
      %dma_start3A_579 = arith.constant 0 : i32
      %dma_start3A_580 = tpu.memref_slice %arg6[%rem3A_240, %dma_start3A_577, %dma_start3A_578, %dma_start3A_579] : memref<2x8x128x32xf32, #tpu.memory_space<vmem>> -> memref<1x1x128x32xf32, #tpu.memory_space<vmem>>
      %dma_start3A_581 = tpu.memref_squeeze %dma_start3A_580 : memref<1x1x128x32xf32, #tpu.memory_space<vmem>> -> memref<128x32xf32, #tpu.memory_space<vmem>>
      %dma_start3A_582 = arith.constant 0 : i32
      %dma_start3A_583 = tpu.memref_slice %arg4[%add3A_576, %dma_start3A_582] : memref<425984x32xf32, #tpu.memory_space<hbm>> -> memref<128x32xf32, #tpu.memory_space<hbm>>
      %dma_start3A_584 = arith.constant 0 : i32
      %dma_start3A_585 = tpu.memref_slice %arg4[%add3A_576, %dma_start3A_584] : memref<425984x32xf32, #tpu.memory_space<hbm>> -> memref<128x32xf32, #tpu.memory_space<hbm>>
      %dma_start3A_586 = arith.constant 0 : i32
      %dma_start3A_587 = arith.constant 0 : i32
      %dma_start3A_588 = tpu.memref_slice %arg6[%rem3A_240, %dma_start3A_577, %dma_start3A_586, %dma_start3A_587] : memref<2x8x128x32xf32, #tpu.memory_space<vmem>> -> memref<1x1x128x32xf32, #tpu.memory_space<vmem>>
      %dma_start3A_589 = tpu.memref_squeeze %dma_start3A_588 : memref<1x1x128x32xf32, #tpu.memory_space<vmem>> -> memref<128x32xf32, #tpu.memory_space<vmem>>
      tpu.enqueue_dma source(%dma_start3A_589 : memref<128x32xf32, #tpu.memory_space<vmem>>) target(%dma_start3A_585 : memref<128x32xf32, #tpu.memory_space<hbm>>) target_semaphore(%arg8 : memref<!tpu.dma_semaphore, #tpu.memory_space<semaphore_mem>>)
      %mul3A_590 = arith.constant 8 : i32
      %mul3A_591 = arith.muli %scan3A_239, %mul3A_590 : i32
      %add3A_592 = arith.constant 7 : i32
      %add3A_593 = arith.addi %mul3A_591, %add3A_592 : i32
      %mul3A_594 = arith.constant 128 : i32
      %mul3A_595 = arith.muli %add3A_593, %mul3A_594 : i32
      %add3A_596 = arith.addi %mul3A_9, %mul3A_595 : i32
      %dma_start3A_597 = arith.constant 7 : i32
      %dma_start3A_598 = arith.constant 0 : i32
      %dma_start3A_599 = arith.constant 0 : i32
      %dma_start3A_600 = tpu.memref_slice %arg6[%rem3A_240, %dma_start3A_597, %dma_start3A_598, %dma_start3A_599] : memref<2x8x128x32xf32, #tpu.memory_space<vmem>> -> memref<1x1x128x32xf32, #tpu.memory_space<vmem>>
      %dma_start3A_601 = tpu.memref_squeeze %dma_start3A_600 : memref<1x1x128x32xf32, #tpu.memory_space<vmem>> -> memref<128x32xf32, #tpu.memory_space<vmem>>
      %dma_start3A_602 = arith.constant 0 : i32
      %dma_start3A_603 = tpu.memref_slice %arg4[%add3A_596, %dma_start3A_602] : memref<425984x32xf32, #tpu.memory_space<hbm>> -> memref<128x32xf32, #tpu.memory_space<hbm>>
      %dma_start3A_604 = arith.constant 0 : i32
      %dma_start3A_605 = tpu.memref_slice %arg4[%add3A_596, %dma_start3A_604] : memref<425984x32xf32, #tpu.memory_space<hbm>> -> memref<128x32xf32, #tpu.memory_space<hbm>>
      %dma_start3A_606 = arith.constant 0 : i32
      %dma_start3A_607 = arith.constant 0 : i32
      %dma_start3A_608 = tpu.memref_slice %arg6[%rem3A_240, %dma_start3A_597, %dma_start3A_606, %dma_start3A_607] : memref<2x8x128x32xf32, #tpu.memory_space<vmem>> -> memref<1x1x128x32xf32, #tpu.memory_space<vmem>>
      %dma_start3A_609 = tpu.memref_squeeze %dma_start3A_608 : memref<1x1x128x32xf32, #tpu.memory_space<vmem>> -> memref<128x32xf32, #tpu.memory_space<vmem>>
      tpu.enqueue_dma source(%dma_start3A_609 : memref<128x32xf32, #tpu.memory_space<vmem>>) target(%dma_start3A_605 : memref<128x32xf32, #tpu.memory_space<hbm>>) target_semaphore(%arg8 : memref<!tpu.dma_semaphore, #tpu.memory_space<semaphore_mem>>)
    }
    %scan3A_15 = arith.constant 13 : i32
    %dma_wait3A = arith.constant 0 : i32
    %dma_wait3A_16 = arith.constant 0 : i32
    %dma_wait3A_17 = arith.constant 0 : i32
    %dma_wait3A_18 = arith.constant 0 : i32
    %dma_wait3A_19 = tpu.memref_slice %arg6[%dma_wait3A, %dma_wait3A_16, %dma_wait3A_17, %dma_wait3A_18] : memref<2x8x128x32xf32, #tpu.memory_space<vmem>> -> memref<1x1x128x32xf32, #tpu.memory_space<vmem>>
    %dma_wait3A_20 = tpu.memref_squeeze %dma_wait3A_19 : memref<1x1x128x32xf32, #tpu.memory_space<vmem>> -> memref<128x32xf32, #tpu.memory_space<vmem>>
    %dma_wait3A_21 = arith.constant 0 : i32
    %dma_wait3A_22 = tpu.memref_slice %arg4[%mul3A_9, %dma_wait3A_21] : memref<425984x32xf32, #tpu.memory_space<hbm>> -> memref<128x32xf32, #tpu.memory_space<hbm>>
    %dma_wait3A_23 = arith.constant 0 : i32
    %dma_wait3A_24 = tpu.memref_slice %arg4[%mul3A_9, %dma_wait3A_23] : memref<425984x32xf32, #tpu.memory_space<hbm>> -> memref<128x32xf32, #tpu.memory_space<hbm>>
    %dma_wait3A_25 = arith.constant 0 : i32
    %dma_wait3A_26 = arith.constant 0 : i32
    %dma_wait3A_27 = tpu.memref_slice %arg6[%dma_wait3A, %dma_wait3A_16, %dma_wait3A_25, %dma_wait3A_26] : memref<2x8x128x32xf32, #tpu.memory_space<vmem>> -> memref<1x1x128x32xf32, #tpu.memory_space<vmem>>
    %dma_wait3A_28 = tpu.memref_squeeze %dma_wait3A_27 : memref<1x1x128x32xf32, #tpu.memory_space<vmem>> -> memref<128x32xf32, #tpu.memory_space<vmem>>
    tpu.wait_dma2 semaphore(%arg8 : memref<!tpu.dma_semaphore, #tpu.memory_space<semaphore_mem>>) src(%dma_wait3A_28 : memref<128x32xf32, #tpu.memory_space<vmem>>) dst(%dma_wait3A_24 : memref<128x32xf32, #tpu.memory_space<hbm>>)
    %dma_wait3A_29 = arith.constant 0 : i32
    %dma_wait3A_30 = arith.constant 0 : i32
    %dma_wait3A_31 = arith.constant 0 : i32
    %dma_wait3A_32 = arith.constant 0 : i32
    %dma_wait3A_33 = tpu.memref_slice %arg6[%dma_wait3A_29, %dma_wait3A_30, %dma_wait3A_31, %dma_wait3A_32] : memref<2x8x128x32xf32, #tpu.memory_space<vmem>> -> memref<1x1x128x32xf32, #tpu.memory_space<vmem>>
    %dma_wait3A_34 = tpu.memref_squeeze %dma_wait3A_33 : memref<1x1x128x32xf32, #tpu.memory_space<vmem>> -> memref<128x32xf32, #tpu.memory_space<vmem>>
    %dma_wait3A_35 = arith.constant 0 : i32
    %dma_wait3A_36 = tpu.memref_slice %arg4[%mul3A_9, %dma_wait3A_35] : memref<425984x32xf32, #tpu.memory_space<hbm>> -> memref<128x32xf32, #tpu.memory_space<hbm>>
    %dma_wait3A_37 = arith.constant 0 : i32
    %dma_wait3A_38 = tpu.memref_slice %arg4[%mul3A_9, %dma_wait3A_37] : memref<425984x32xf32, #tpu.memory_space<hbm>> -> memref<128x32xf32, #tpu.memory_space<hbm>>
    %dma_wait3A_39 = arith.constant 0 : i32
    %dma_wait3A_40 = arith.constant 0 : i32
    %dma_wait3A_41 = tpu.memref_slice %arg6[%dma_wait3A_29, %dma_wait3A_30, %dma_wait3A_39, %dma_wait3A_40] : memref<2x8x128x32xf32, #tpu.memory_space<vmem>> -> memref<1x1x128x32xf32, #tpu.memory_space<vmem>>
    %dma_wait3A_42 = tpu.memref_squeeze %dma_wait3A_41 : memref<1x1x128x32xf32, #tpu.memory_space<vmem>> -> memref<128x32xf32, #tpu.memory_space<vmem>>
    tpu.wait_dma2 semaphore(%arg8 : memref<!tpu.dma_semaphore, #tpu.memory_space<semaphore_mem>>) src(%dma_wait3A_42 : memref<128x32xf32, #tpu.memory_space<vmem>>) dst(%dma_wait3A_38 : memref<128x32xf32, #tpu.memory_space<hbm>>)
    %dma_wait3A_43 = arith.constant 0 : i32
    %dma_wait3A_44 = arith.constant 0 : i32
    %dma_wait3A_45 = arith.constant 0 : i32
    %dma_wait3A_46 = arith.constant 0 : i32
    %dma_wait3A_47 = tpu.memref_slice %arg6[%dma_wait3A_43, %dma_wait3A_44, %dma_wait3A_45, %dma_wait3A_46] : memref<2x8x128x32xf32, #tpu.memory_space<vmem>> -> memref<1x1x128x32xf32, #tpu.memory_space<vmem>>
    %dma_wait3A_48 = tpu.memref_squeeze %dma_wait3A_47 : memref<1x1x128x32xf32, #tpu.memory_space<vmem>> -> memref<128x32xf32, #tpu.memory_space<vmem>>
    %dma_wait3A_49 = arith.constant 0 : i32
    %dma_wait3A_50 = tpu.memref_slice %arg4[%mul3A_9, %dma_wait3A_49] : memref<425984x32xf32, #tpu.memory_space<hbm>> -> memref<128x32xf32, #tpu.memory_space<hbm>>
    %dma_wait3A_51 = arith.constant 0 : i32
    %dma_wait3A_52 = tpu.memref_slice %arg4[%mul3A_9, %dma_wait3A_51] : memref<425984x32xf32, #tpu.memory_space<hbm>> -> memref<128x32xf32, #tpu.memory_space<hbm>>
    %dma_wait3A_53 = arith.constant 0 : i32
    %dma_wait3A_54 = arith.constant 0 : i32
    %dma_wait3A_55 = tpu.memref_slice %arg6[%dma_wait3A_43, %dma_wait3A_44, %dma_wait3A_53, %dma_wait3A_54] : memref<2x8x128x32xf32, #tpu.memory_space<vmem>> -> memref<1x1x128x32xf32, #tpu.memory_space<vmem>>
    %dma_wait3A_56 = tpu.memref_squeeze %dma_wait3A_55 : memref<1x1x128x32xf32, #tpu.memory_space<vmem>> -> memref<128x32xf32, #tpu.memory_space<vmem>>
    tpu.wait_dma2 semaphore(%arg8 : memref<!tpu.dma_semaphore, #tpu.memory_space<semaphore_mem>>) src(%dma_wait3A_56 : memref<128x32xf32, #tpu.memory_space<vmem>>) dst(%dma_wait3A_52 : memref<128x32xf32, #tpu.memory_space<hbm>>)
    %dma_wait3A_57 = arith.constant 0 : i32
    %dma_wait3A_58 = arith.constant 0 : i32
    %dma_wait3A_59 = arith.constant 0 : i32
    %dma_wait3A_60 = arith.constant 0 : i32
    %dma_wait3A_61 = tpu.memref_slice %arg6[%dma_wait3A_57, %dma_wait3A_58, %dma_wait3A_59, %dma_wait3A_60] : memref<2x8x128x32xf32, #tpu.memory_space<vmem>> -> memref<1x1x128x32xf32, #tpu.memory_space<vmem>>
    %dma_wait3A_62 = tpu.memref_squeeze %dma_wait3A_61 : memref<1x1x128x32xf32, #tpu.memory_space<vmem>> -> memref<128x32xf32, #tpu.memory_space<vmem>>
    %dma_wait3A_63 = arith.constant 0 : i32
    %dma_wait3A_64 = tpu.memref_slice %arg4[%mul3A_9, %dma_wait3A_63] : memref<425984x32xf32, #tpu.memory_space<hbm>> -> memref<128x32xf32, #tpu.memory_space<hbm>>
    %dma_wait3A_65 = arith.constant 0 : i32
    %dma_wait3A_66 = tpu.memref_slice %arg4[%mul3A_9, %dma_wait3A_65] : memref<425984x32xf32, #tpu.memory_space<hbm>> -> memref<128x32xf32, #tpu.memory_space<hbm>>
    %dma_wait3A_67 = arith.constant 0 : i32
    %dma_wait3A_68 = arith.constant 0 : i32
    %dma_wait3A_69 = tpu.memref_slice %arg6[%dma_wait3A_57, %dma_wait3A_58, %dma_wait3A_67, %dma_wait3A_68] : memref<2x8x128x32xf32, #tpu.memory_space<vmem>> -> memref<1x1x128x32xf32, #tpu.memory_space<vmem>>
    %dma_wait3A_70 = tpu.memref_squeeze %dma_wait3A_69 : memref<1x1x128x32xf32, #tpu.memory_space<vmem>> -> memref<128x32xf32, #tpu.memory_space<vmem>>
    tpu.wait_dma2 semaphore(%arg8 : memref<!tpu.dma_semaphore, #tpu.memory_space<semaphore_mem>>) src(%dma_wait3A_70 : memref<128x32xf32, #tpu.memory_space<vmem>>) dst(%dma_wait3A_66 : memref<128x32xf32, #tpu.memory_space<hbm>>)
    %dma_wait3A_71 = arith.constant 0 : i32
    %dma_wait3A_72 = arith.constant 0 : i32
    %dma_wait3A_73 = arith.constant 0 : i32
    %dma_wait3A_74 = arith.constant 0 : i32
    %dma_wait3A_75 = tpu.memref_slice %arg6[%dma_wait3A_71, %dma_wait3A_72, %dma_wait3A_73, %dma_wait3A_74] : memref<2x8x128x32xf32, #tpu.memory_space<vmem>> -> memref<1x1x128x32xf32, #tpu.memory_space<vmem>>
    %dma_wait3A_76 = tpu.memref_squeeze %dma_wait3A_75 : memref<1x1x128x32xf32, #tpu.memory_space<vmem>> -> memref<128x32xf32, #tpu.memory_space<vmem>>
    %dma_wait3A_77 = arith.constant 0 : i32
    %dma_wait3A_78 = tpu.memref_slice %arg4[%mul3A_9, %dma_wait3A_77] : memref<425984x32xf32, #tpu.memory_space<hbm>> -> memref<128x32xf32, #tpu.memory_space<hbm>>
    %dma_wait3A_79 = arith.constant 0 : i32
    %dma_wait3A_80 = tpu.memref_slice %arg4[%mul3A_9, %dma_wait3A_79] : memref<425984x32xf32, #tpu.memory_space<hbm>> -> memref<128x32xf32, #tpu.memory_space<hbm>>
    %dma_wait3A_81 = arith.constant 0 : i32
    %dma_wait3A_82 = arith.constant 0 : i32
    %dma_wait3A_83 = tpu.memref_slice %arg6[%dma_wait3A_71, %dma_wait3A_72, %dma_wait3A_81, %dma_wait3A_82] : memref<2x8x128x32xf32, #tpu.memory_space<vmem>> -> memref<1x1x128x32xf32, #tpu.memory_space<vmem>>
    %dma_wait3A_84 = tpu.memref_squeeze %dma_wait3A_83 : memref<1x1x128x32xf32, #tpu.memory_space<vmem>> -> memref<128x32xf32, #tpu.memory_space<vmem>>
    tpu.wait_dma2 semaphore(%arg8 : memref<!tpu.dma_semaphore, #tpu.memory_space<semaphore_mem>>) src(%dma_wait3A_84 : memref<128x32xf32, #tpu.memory_space<vmem>>) dst(%dma_wait3A_80 : memref<128x32xf32, #tpu.memory_space<hbm>>)
    %dma_wait3A_85 = arith.constant 0 : i32
    %dma_wait3A_86 = arith.constant 0 : i32
    %dma_wait3A_87 = arith.constant 0 : i32
    %dma_wait3A_88 = arith.constant 0 : i32
    %dma_wait3A_89 = tpu.memref_slice %arg6[%dma_wait3A_85, %dma_wait3A_86, %dma_wait3A_87, %dma_wait3A_88] : memref<2x8x128x32xf32, #tpu.memory_space<vmem>> -> memref<1x1x128x32xf32, #tpu.memory_space<vmem>>
    %dma_wait3A_90 = tpu.memref_squeeze %dma_wait3A_89 : memref<1x1x128x32xf32, #tpu.memory_space<vmem>> -> memref<128x32xf32, #tpu.memory_space<vmem>>
    %dma_wait3A_91 = arith.constant 0 : i32
    %dma_wait3A_92 = tpu.memref_slice %arg4[%mul3A_9, %dma_wait3A_91] : memref<425984x32xf32, #tpu.memory_space<hbm>> -> memref<128x32xf32, #tpu.memory_space<hbm>>
    %dma_wait3A_93 = arith.constant 0 : i32
    %dma_wait3A_94 = tpu.memref_slice %arg4[%mul3A_9, %dma_wait3A_93] : memref<425984x32xf32, #tpu.memory_space<hbm>> -> memref<128x32xf32, #tpu.memory_space<hbm>>
    %dma_wait3A_95 = arith.constant 0 : i32
    %dma_wait3A_96 = arith.constant 0 : i32
    %dma_wait3A_97 = tpu.memref_slice %arg6[%dma_wait3A_85, %dma_wait3A_86, %dma_wait3A_95, %dma_wait3A_96] : memref<2x8x128x32xf32, #tpu.memory_space<vmem>> -> memref<1x1x128x32xf32, #tpu.memory_space<vmem>>
    %dma_wait3A_98 = tpu.memref_squeeze %dma_wait3A_97 : memref<1x1x128x32xf32, #tpu.memory_space<vmem>> -> memref<128x32xf32, #tpu.memory_space<vmem>>
    tpu.wait_dma2 semaphore(%arg8 : memref<!tpu.dma_semaphore, #tpu.memory_space<semaphore_mem>>) src(%dma_wait3A_98 : memref<128x32xf32, #tpu.memory_space<vmem>>) dst(%dma_wait3A_94 : memref<128x32xf32, #tpu.memory_space<hbm>>)
    %dma_wait3A_99 = arith.constant 0 : i32
    %dma_wait3A_100 = arith.constant 0 : i32
    %dma_wait3A_101 = arith.constant 0 : i32
    %dma_wait3A_102 = arith.constant 0 : i32
    %dma_wait3A_103 = tpu.memref_slice %arg6[%dma_wait3A_99, %dma_wait3A_100, %dma_wait3A_101, %dma_wait3A_102] : memref<2x8x128x32xf32, #tpu.memory_space<vmem>> -> memref<1x1x128x32xf32, #tpu.memory_space<vmem>>
    %dma_wait3A_104 = tpu.memref_squeeze %dma_wait3A_103 : memref<1x1x128x32xf32, #tpu.memory_space<vmem>> -> memref<128x32xf32, #tpu.memory_space<vmem>>
    %dma_wait3A_105 = arith.constant 0 : i32
    %dma_wait3A_106 = tpu.memref_slice %arg4[%mul3A_9, %dma_wait3A_105] : memref<425984x32xf32, #tpu.memory_space<hbm>> -> memref<128x32xf32, #tpu.memory_space<hbm>>
    %dma_wait3A_107 = arith.constant 0 : i32
    %dma_wait3A_108 = tpu.memref_slice %arg4[%mul3A_9, %dma_wait3A_107] : memref<425984x32xf32, #tpu.memory_space<hbm>> -> memref<128x32xf32, #tpu.memory_space<hbm>>
    %dma_wait3A_109 = arith.constant 0 : i32
    %dma_wait3A_110 = arith.constant 0 : i32
    %dma_wait3A_111 = tpu.memref_slice %arg6[%dma_wait3A_99, %dma_wait3A_100, %dma_wait3A_109, %dma_wait3A_110] : memref<2x8x128x32xf32, #tpu.memory_space<vmem>> -> memref<1x1x128x32xf32, #tpu.memory_space<vmem>>
    %dma_wait3A_112 = tpu.memref_squeeze %dma_wait3A_111 : memref<1x1x128x32xf32, #tpu.memory_space<vmem>> -> memref<128x32xf32, #tpu.memory_space<vmem>>
    tpu.wait_dma2 semaphore(%arg8 : memref<!tpu.dma_semaphore, #tpu.memory_space<semaphore_mem>>) src(%dma_wait3A_112 : memref<128x32xf32, #tpu.memory_space<vmem>>) dst(%dma_wait3A_108 : memref<128x32xf32, #tpu.memory_space<hbm>>)
    %dma_wait3A_113 = arith.constant 0 : i32
    %dma_wait3A_114 = arith.constant 0 : i32
    %dma_wait3A_115 = arith.constant 0 : i32
    %dma_wait3A_116 = arith.constant 0 : i32
    %dma_wait3A_117 = tpu.memref_slice %arg6[%dma_wait3A_113, %dma_wait3A_114, %dma_wait3A_115, %dma_wait3A_116] : memref<2x8x128x32xf32, #tpu.memory_space<vmem>> -> memref<1x1x128x32xf32, #tpu.memory_space<vmem>>
    %dma_wait3A_118 = tpu.memref_squeeze %dma_wait3A_117 : memref<1x1x128x32xf32, #tpu.memory_space<vmem>> -> memref<128x32xf32, #tpu.memory_space<vmem>>
    %dma_wait3A_119 = arith.constant 0 : i32
    %dma_wait3A_120 = tpu.memref_slice %arg4[%mul3A_9, %dma_wait3A_119] : memref<425984x32xf32, #tpu.memory_space<hbm>> -> memref<128x32xf32, #tpu.memory_space<hbm>>
    %dma_wait3A_121 = arith.constant 0 : i32
    %dma_wait3A_122 = tpu.memref_slice %arg4[%mul3A_9, %dma_wait3A_121] : memref<425984x32xf32, #tpu.memory_space<hbm>> -> memref<128x32xf32, #tpu.memory_space<hbm>>
    %dma_wait3A_123 = arith.constant 0 : i32
    %dma_wait3A_124 = arith.constant 0 : i32
    %dma_wait3A_125 = tpu.memref_slice %arg6[%dma_wait3A_113, %dma_wait3A_114, %dma_wait3A_123, %dma_wait3A_124] : memref<2x8x128x32xf32, #tpu.memory_space<vmem>> -> memref<1x1x128x32xf32, #tpu.memory_space<vmem>>
    %dma_wait3A_126 = tpu.memref_squeeze %dma_wait3A_125 : memref<1x1x128x32xf32, #tpu.memory_space<vmem>> -> memref<128x32xf32, #tpu.memory_space<vmem>>
    tpu.wait_dma2 semaphore(%arg8 : memref<!tpu.dma_semaphore, #tpu.memory_space<semaphore_mem>>) src(%dma_wait3A_126 : memref<128x32xf32, #tpu.memory_space<vmem>>) dst(%dma_wait3A_122 : memref<128x32xf32, #tpu.memory_space<hbm>>)
    %dma_wait3A_127 = arith.constant 0 : i32
    %dma_wait3A_128 = arith.constant 0 : i32
    %dma_wait3A_129 = arith.constant 0 : i32
    %dma_wait3A_130 = arith.constant 0 : i32
    %dma_wait3A_131 = tpu.memref_slice %arg6[%dma_wait3A_127, %dma_wait3A_128, %dma_wait3A_129, %dma_wait3A_130] : memref<2x8x128x32xf32, #tpu.memory_space<vmem>> -> memref<1x1x128x32xf32, #tpu.memory_space<vmem>>
    %dma_wait3A_132 = tpu.memref_squeeze %dma_wait3A_131 : memref<1x1x128x32xf32, #tpu.memory_space<vmem>> -> memref<128x32xf32, #tpu.memory_space<vmem>>
    %dma_wait3A_133 = arith.constant 0 : i32
    %dma_wait3A_134 = tpu.memref_slice %arg4[%mul3A_9, %dma_wait3A_133] : memref<425984x32xf32, #tpu.memory_space<hbm>> -> memref<128x32xf32, #tpu.memory_space<hbm>>
    %dma_wait3A_135 = arith.constant 0 : i32
    %dma_wait3A_136 = tpu.memref_slice %arg4[%mul3A_9, %dma_wait3A_135] : memref<425984x32xf32, #tpu.memory_space<hbm>> -> memref<128x32xf32, #tpu.memory_space<hbm>>
    %dma_wait3A_137 = arith.constant 0 : i32
    %dma_wait3A_138 = arith.constant 0 : i32
    %dma_wait3A_139 = tpu.memref_slice %arg6[%dma_wait3A_127, %dma_wait3A_128, %dma_wait3A_137, %dma_wait3A_138] : memref<2x8x128x32xf32, #tpu.memory_space<vmem>> -> memref<1x1x128x32xf32, #tpu.memory_space<vmem>>
    %dma_wait3A_140 = tpu.memref_squeeze %dma_wait3A_139 : memref<1x1x128x32xf32, #tpu.memory_space<vmem>> -> memref<128x32xf32, #tpu.memory_space<vmem>>
    tpu.wait_dma2 semaphore(%arg8 : memref<!tpu.dma_semaphore, #tpu.memory_space<semaphore_mem>>) src(%dma_wait3A_140 : memref<128x32xf32, #tpu.memory_space<vmem>>) dst(%dma_wait3A_136 : memref<128x32xf32, #tpu.memory_space<hbm>>)
    %dma_wait3A_141 = arith.constant 0 : i32
    %dma_wait3A_142 = arith.constant 0 : i32
    %dma_wait3A_143 = arith.constant 0 : i32
    %dma_wait3A_144 = arith.constant 0 : i32
    %dma_wait3A_145 = tpu.memref_slice %arg6[%dma_wait3A_141, %dma_wait3A_142, %dma_wait3A_143, %dma_wait3A_144] : memref<2x8x128x32xf32, #tpu.memory_space<vmem>> -> memref<1x1x128x32xf32, #tpu.memory_space<vmem>>
    %dma_wait3A_146 = tpu.memref_squeeze %dma_wait3A_145 : memref<1x1x128x32xf32, #tpu.memory_space<vmem>> -> memref<128x32xf32, #tpu.memory_space<vmem>>
    %dma_wait3A_147 = arith.constant 0 : i32
    %dma_wait3A_148 = tpu.memref_slice %arg4[%mul3A_9, %dma_wait3A_147] : memref<425984x32xf32, #tpu.memory_space<hbm>> -> memref<128x32xf32, #tpu.memory_space<hbm>>
    %dma_wait3A_149 = arith.constant 0 : i32
    %dma_wait3A_150 = tpu.memref_slice %arg4[%mul3A_9, %dma_wait3A_149] : memref<425984x32xf32, #tpu.memory_space<hbm>> -> memref<128x32xf32, #tpu.memory_space<hbm>>
    %dma_wait3A_151 = arith.constant 0 : i32
    %dma_wait3A_152 = arith.constant 0 : i32
    %dma_wait3A_153 = tpu.memref_slice %arg6[%dma_wait3A_141, %dma_wait3A_142, %dma_wait3A_151, %dma_wait3A_152] : memref<2x8x128x32xf32, #tpu.memory_space<vmem>> -> memref<1x1x128x32xf32, #tpu.memory_space<vmem>>
    %dma_wait3A_154 = tpu.memref_squeeze %dma_wait3A_153 : memref<1x1x128x32xf32, #tpu.memory_space<vmem>> -> memref<128x32xf32, #tpu.memory_space<vmem>>
    tpu.wait_dma2 semaphore(%arg8 : memref<!tpu.dma_semaphore, #tpu.memory_space<semaphore_mem>>) src(%dma_wait3A_154 : memref<128x32xf32, #tpu.memory_space<vmem>>) dst(%dma_wait3A_150 : memref<128x32xf32, #tpu.memory_space<hbm>>)
    %dma_wait3A_155 = arith.constant 0 : i32
    %dma_wait3A_156 = arith.constant 0 : i32
    %dma_wait3A_157 = arith.constant 0 : i32
    %dma_wait3A_158 = arith.constant 0 : i32
    %dma_wait3A_159 = tpu.memref_slice %arg6[%dma_wait3A_155, %dma_wait3A_156, %dma_wait3A_157, %dma_wait3A_158] : memref<2x8x128x32xf32, #tpu.memory_space<vmem>> -> memref<1x1x128x32xf32, #tpu.memory_space<vmem>>
    %dma_wait3A_160 = tpu.memref_squeeze %dma_wait3A_159 : memref<1x1x128x32xf32, #tpu.memory_space<vmem>> -> memref<128x32xf32, #tpu.memory_space<vmem>>
    %dma_wait3A_161 = arith.constant 0 : i32
    %dma_wait3A_162 = tpu.memref_slice %arg4[%mul3A_9, %dma_wait3A_161] : memref<425984x32xf32, #tpu.memory_space<hbm>> -> memref<128x32xf32, #tpu.memory_space<hbm>>
    %dma_wait3A_163 = arith.constant 0 : i32
    %dma_wait3A_164 = tpu.memref_slice %arg4[%mul3A_9, %dma_wait3A_163] : memref<425984x32xf32, #tpu.memory_space<hbm>> -> memref<128x32xf32, #tpu.memory_space<hbm>>
    %dma_wait3A_165 = arith.constant 0 : i32
    %dma_wait3A_166 = arith.constant 0 : i32
    %dma_wait3A_167 = tpu.memref_slice %arg6[%dma_wait3A_155, %dma_wait3A_156, %dma_wait3A_165, %dma_wait3A_166] : memref<2x8x128x32xf32, #tpu.memory_space<vmem>> -> memref<1x1x128x32xf32, #tpu.memory_space<vmem>>
    %dma_wait3A_168 = tpu.memref_squeeze %dma_wait3A_167 : memref<1x1x128x32xf32, #tpu.memory_space<vmem>> -> memref<128x32xf32, #tpu.memory_space<vmem>>
    tpu.wait_dma2 semaphore(%arg8 : memref<!tpu.dma_semaphore, #tpu.memory_space<semaphore_mem>>) src(%dma_wait3A_168 : memref<128x32xf32, #tpu.memory_space<vmem>>) dst(%dma_wait3A_164 : memref<128x32xf32, #tpu.memory_space<hbm>>)
    %dma_wait3A_169 = arith.constant 0 : i32
    %dma_wait3A_170 = arith.constant 0 : i32
    %dma_wait3A_171 = arith.constant 0 : i32
    %dma_wait3A_172 = arith.constant 0 : i32
    %dma_wait3A_173 = tpu.memref_slice %arg6[%dma_wait3A_169, %dma_wait3A_170, %dma_wait3A_171, %dma_wait3A_172] : memref<2x8x128x32xf32, #tpu.memory_space<vmem>> -> memref<1x1x128x32xf32, #tpu.memory_space<vmem>>
    %dma_wait3A_174 = tpu.memref_squeeze %dma_wait3A_173 : memref<1x1x128x32xf32, #tpu.memory_space<vmem>> -> memref<128x32xf32, #tpu.memory_space<vmem>>
    %dma_wait3A_175 = arith.constant 0 : i32
    %dma_wait3A_176 = tpu.memref_slice %arg4[%mul3A_9, %dma_wait3A_175] : memref<425984x32xf32, #tpu.memory_space<hbm>> -> memref<128x32xf32, #tpu.memory_space<hbm>>
    %dma_wait3A_177 = arith.constant 0 : i32
    %dma_wait3A_178 = tpu.memref_slice %arg4[%mul3A_9, %dma_wait3A_177] : memref<425984x32xf32, #tpu.memory_space<hbm>> -> memref<128x32xf32, #tpu.memory_space<hbm>>
    %dma_wait3A_179 = arith.constant 0 : i32
    %dma_wait3A_180 = arith.constant 0 : i32
    %dma_wait3A_181 = tpu.memref_slice %arg6[%dma_wait3A_169, %dma_wait3A_170, %dma_wait3A_179, %dma_wait3A_180] : memref<2x8x128x32xf32, #tpu.memory_space<vmem>> -> memref<1x1x128x32xf32, #tpu.memory_space<vmem>>
    %dma_wait3A_182 = tpu.memref_squeeze %dma_wait3A_181 : memref<1x1x128x32xf32, #tpu.memory_space<vmem>> -> memref<128x32xf32, #tpu.memory_space<vmem>>
    tpu.wait_dma2 semaphore(%arg8 : memref<!tpu.dma_semaphore, #tpu.memory_space<semaphore_mem>>) src(%dma_wait3A_182 : memref<128x32xf32, #tpu.memory_space<vmem>>) dst(%dma_wait3A_178 : memref<128x32xf32, #tpu.memory_space<hbm>>)
    %dma_wait3A_183 = arith.constant 0 : i32
    %dma_wait3A_184 = arith.constant 0 : i32
    %dma_wait3A_185 = arith.constant 0 : i32
    %dma_wait3A_186 = arith.constant 0 : i32
    %dma_wait3A_187 = tpu.memref_slice %arg6[%dma_wait3A_183, %dma_wait3A_184, %dma_wait3A_185, %dma_wait3A_186] : memref<2x8x128x32xf32, #tpu.memory_space<vmem>> -> memref<1x1x128x32xf32, #tpu.memory_space<vmem>>
    %dma_wait3A_188 = tpu.memref_squeeze %dma_wait3A_187 : memref<1x1x128x32xf32, #tpu.memory_space<vmem>> -> memref<128x32xf32, #tpu.memory_space<vmem>>
    %dma_wait3A_189 = arith.constant 0 : i32
    %dma_wait3A_190 = tpu.memref_slice %arg4[%mul3A_9, %dma_wait3A_189] : memref<425984x32xf32, #tpu.memory_space<hbm>> -> memref<128x32xf32, #tpu.memory_space<hbm>>
    %dma_wait3A_191 = arith.constant 0 : i32
    %dma_wait3A_192 = tpu.memref_slice %arg4[%mul3A_9, %dma_wait3A_191] : memref<425984x32xf32, #tpu.memory_space<hbm>> -> memref<128x32xf32, #tpu.memory_space<hbm>>
    %dma_wait3A_193 = arith.constant 0 : i32
    %dma_wait3A_194 = arith.constant 0 : i32
    %dma_wait3A_195 = tpu.memref_slice %arg6[%dma_wait3A_183, %dma_wait3A_184, %dma_wait3A_193, %dma_wait3A_194] : memref<2x8x128x32xf32, #tpu.memory_space<vmem>> -> memref<1x1x128x32xf32, #tpu.memory_space<vmem>>
    %dma_wait3A_196 = tpu.memref_squeeze %dma_wait3A_195 : memref<1x1x128x32xf32, #tpu.memory_space<vmem>> -> memref<128x32xf32, #tpu.memory_space<vmem>>
    tpu.wait_dma2 semaphore(%arg8 : memref<!tpu.dma_semaphore, #tpu.memory_space<semaphore_mem>>) src(%dma_wait3A_196 : memref<128x32xf32, #tpu.memory_space<vmem>>) dst(%dma_wait3A_192 : memref<128x32xf32, #tpu.memory_space<hbm>>)
    %dma_wait3A_197 = arith.constant 0 : i32
    %dma_wait3A_198 = arith.constant 0 : i32
    %dma_wait3A_199 = arith.constant 0 : i32
    %dma_wait3A_200 = arith.constant 0 : i32
    %dma_wait3A_201 = tpu.memref_slice %arg6[%dma_wait3A_197, %dma_wait3A_198, %dma_wait3A_199, %dma_wait3A_200] : memref<2x8x128x32xf32, #tpu.memory_space<vmem>> -> memref<1x1x128x32xf32, #tpu.memory_space<vmem>>
    %dma_wait3A_202 = tpu.memref_squeeze %dma_wait3A_201 : memref<1x1x128x32xf32, #tpu.memory_space<vmem>> -> memref<128x32xf32, #tpu.memory_space<vmem>>
    %dma_wait3A_203 = arith.constant 0 : i32
    %dma_wait3A_204 = tpu.memref_slice %arg4[%mul3A_9, %dma_wait3A_203] : memref<425984x32xf32, #tpu.memory_space<hbm>> -> memref<128x32xf32, #tpu.memory_space<hbm>>
    %dma_wait3A_205 = arith.constant 0 : i32
    %dma_wait3A_206 = tpu.memref_slice %arg4[%mul3A_9, %dma_wait3A_205] : memref<425984x32xf32, #tpu.memory_space<hbm>> -> memref<128x32xf32, #tpu.memory_space<hbm>>
    %dma_wait3A_207 = arith.constant 0 : i32
    %dma_wait3A_208 = arith.constant 0 : i32
    %dma_wait3A_209 = tpu.memref_slice %arg6[%dma_wait3A_197, %dma_wait3A_198, %dma_wait3A_207, %dma_wait3A_208] : memref<2x8x128x32xf32, #tpu.memory_space<vmem>> -> memref<1x1x128x32xf32, #tpu.memory_space<vmem>>
    %dma_wait3A_210 = tpu.memref_squeeze %dma_wait3A_209 : memref<1x1x128x32xf32, #tpu.memory_space<vmem>> -> memref<128x32xf32, #tpu.memory_space<vmem>>
    tpu.wait_dma2 semaphore(%arg8 : memref<!tpu.dma_semaphore, #tpu.memory_space<semaphore_mem>>) src(%dma_wait3A_210 : memref<128x32xf32, #tpu.memory_space<vmem>>) dst(%dma_wait3A_206 : memref<128x32xf32, #tpu.memory_space<hbm>>)
    %dma_wait3A_211 = arith.constant 0 : i32
    %dma_wait3A_212 = arith.constant 0 : i32
    %dma_wait3A_213 = arith.constant 0 : i32
    %dma_wait3A_214 = arith.constant 0 : i32
    %dma_wait3A_215 = tpu.memref_slice %arg6[%dma_wait3A_211, %dma_wait3A_212, %dma_wait3A_213, %dma_wait3A_214] : memref<2x8x128x32xf32, #tpu.memory_space<vmem>> -> memref<1x1x128x32xf32, #tpu.memory_space<vmem>>
    %dma_wait3A_216 = tpu.memref_squeeze %dma_wait3A_215 : memref<1x1x128x32xf32, #tpu.memory_space<vmem>> -> memref<128x32xf32, #tpu.memory_space<vmem>>
    %dma_wait3A_217 = arith.constant 0 : i32
    %dma_wait3A_218 = tpu.memref_slice %arg4[%mul3A_9, %dma_wait3A_217] : memref<425984x32xf32, #tpu.memory_space<hbm>> -> memref<128x32xf32, #tpu.memory_space<hbm>>
    %dma_wait3A_219 = arith.constant 0 : i32
    %dma_wait3A_220 = tpu.memref_slice %arg4[%mul3A_9, %dma_wait3A_219] : memref<425984x32xf32, #tpu.memory_space<hbm>> -> memref<128x32xf32, #tpu.memory_space<hbm>>
    %dma_wait3A_221 = arith.constant 0 : i32
    %dma_wait3A_222 = arith.constant 0 : i32
    %dma_wait3A_223 = tpu.memref_slice %arg6[%dma_wait3A_211, %dma_wait3A_212, %dma_wait3A_221, %dma_wait3A_222] : memref<2x8x128x32xf32, #tpu.memory_space<vmem>> -> memref<1x1x128x32xf32, #tpu.memory_space<vmem>>
    %dma_wait3A_224 = tpu.memref_squeeze %dma_wait3A_223 : memref<1x1x128x32xf32, #tpu.memory_space<vmem>> -> memref<128x32xf32, #tpu.memory_space<vmem>>
    tpu.wait_dma2 semaphore(%arg8 : memref<!tpu.dma_semaphore, #tpu.memory_space<semaphore_mem>>) src(%dma_wait3A_224 : memref<128x32xf32, #tpu.memory_space<vmem>>) dst(%dma_wait3A_220 : memref<128x32xf32, #tpu.memory_space<hbm>>)
    %dma_wait3A_225 = arith.constant 0 : i32
    %dma_wait3A_226 = arith.constant 0 : i32
    %dma_wait3A_227 = arith.constant 0 : i32
    %dma_wait3A_228 = arith.constant 0 : i32
    %dma_wait3A_229 = tpu.memref_slice %arg6[%dma_wait3A_225, %dma_wait3A_226, %dma_wait3A_227, %dma_wait3A_228] : memref<2x8x128x32xf32, #tpu.memory_space<vmem>> -> memref<1x1x128x32xf32, #tpu.memory_space<vmem>>
    %dma_wait3A_230 = tpu.memref_squeeze %dma_wait3A_229 : memref<1x1x128x32xf32, #tpu.memory_space<vmem>> -> memref<128x32xf32, #tpu.memory_space<vmem>>
    %dma_wait3A_231 = arith.constant 0 : i32
    %dma_wait3A_232 = tpu.memref_slice %arg4[%mul3A_9, %dma_wait3A_231] : memref<425984x32xf32, #tpu.memory_space<hbm>> -> memref<128x32xf32, #tpu.memory_space<hbm>>
    %dma_wait3A_233 = arith.constant 0 : i32
    %dma_wait3A_234 = tpu.memref_slice %arg4[%mul3A_9, %dma_wait3A_233] : memref<425984x32xf32, #tpu.memory_space<hbm>> -> memref<128x32xf32, #tpu.memory_space<hbm>>
    %dma_wait3A_235 = arith.constant 0 : i32
    %dma_wait3A_236 = arith.constant 0 : i32
    %dma_wait3A_237 = tpu.memref_slice %arg6[%dma_wait3A_225, %dma_wait3A_226, %dma_wait3A_235, %dma_wait3A_236] : memref<2x8x128x32xf32, #tpu.memory_space<vmem>> -> memref<1x1x128x32xf32, #tpu.memory_space<vmem>>
    %dma_wait3A_238 = tpu.memref_squeeze %dma_wait3A_237 : memref<1x1x128x32xf32, #tpu.memory_space<vmem>> -> memref<128x32xf32, #tpu.memory_space<vmem>>
    tpu.wait_dma2 semaphore(%arg8 : memref<!tpu.dma_semaphore, #tpu.memory_space<semaphore_mem>>) src(%dma_wait3A_238 : memref<128x32xf32, #tpu.memory_space<vmem>>) dst(%dma_wait3A_234 : memref<128x32xf32, #tpu.memory_space<hbm>>)
    return
  }
}

</mosaic_0001>

<sc_bundles>
// kernel: kernel.3.cloned.1.call-start
scs
__scs_entry_jumppad:
0x0: {  	(pc) =	sbr.rel $0x88, $3  }
0x1: {  	(tag) =	ssettag $0x0;
	lr =	simm.s32 $0x1  }
0x2: {  	[smem:$0x3F9F] =	sst lr;
	_ =	strace $0xD0000000  }
0x3: {  	_ = 	snop  }
0x4: {  	_ = 	snop  }
0x5: {  	_ = 	snop  }
0x6: {  	_ = 	snop  }
0x7: {  	_ = 	snop  }
__scs_overlays_trampoline_lowered:
0x8: {  	[smem:$0x3FAE] =	sst s0  }
0x9: {  	[smem:$0x3FAF] =	sst s1  }
0xa: {  	[smem:$0x3FB0] =	sst s2  }
0xb: {  	[smem:$0x3FB1] =	sst s3  }
0xc: {  	[smem:$0x3FB2] =	sst s4  }
0xd: {  	[smem:$0x3FB3] =	sst s5  }
0xe: {  	[smem:$0x3FB4] =	sst s6  }
0xf: {  	[smem:$0x3FB5] =	sst s7  }
0x10: {  	[smem:$0x3FB6] =	sst s8  }
0x11: {  	[smem:$0x3FB7] =	sst s9;
	s0 =	simm.s32 @!p0 $0x0  }
0x12: {  	s1 =	sld [smem:$0x3F9D];
	s0 =	simm.s32 @p0 $0x1  }
0x13: {  	[smem:$0x3FB8] =	sst s0;
	s0 =	simm.s32 @!p1 $0x0  }
0x14: {  	s2 =	sld [smem:$0x3F9C];
	s0 =	simm.s32 @p1 $0x1  }
0x15: {  	[smem:$0x3FB9] =	sst s0;
	s0 =	simm.s32 @!p2 $0x0  }
0x16: {  	s3 =	sld [smem:$0x3FDB];
	s0 =	simm.s32 @p2 $0x1  }
0x17: {  	s4 =	simm.s32 $0x1BF5;
	[smem:$0x3FBB] =	sst s0  }
0x18: {  	s0 =	sld [smem:$0x3F9E];
	_ =	swait.ge [sflag:s4], $0x0  }
0x19: {  	s7 =	sld [smem:$0x3F9F]  }
0x1a: {  	s8 =	sadd.s32 $0xFFFFE003, lr  }
0x1b: {  	s9 =	sadd.s32 $0xFFFFFEF7, lr;
	s5 =	simm.s32 $0xFFFFFFFF;
	p2 =	slt.u32 s8, $0xFFFFF086  }
0x1c: {  	p1 =	slt.u32 s9, $0xF7A;
	s5 =	simm.s32 @!p2 $0x0  }
0x1d: {  	s5 =	simm.s32 @p1 $0x1;
	p0 =	seq.s32 s7, s2  }
0x1e: {  	s7 =	smul.u32 @!p0 $0xF7A, s2;
	p2 =	seq.s32 @!p0 s5, $0x0  }
0x1f: {  	s9 =	smul.u32 $0xF7A, s1;
	s8 =	simm.s32 @!p0 $0x1BF5;
	p2 =	por !p2, p0  }
0x20: {  	[sflag:s8] =	ssyncset.s32 @!p0 $0xFFFFF086;
	s6 =	sadd.s32 @!p0 s3, s7;
	s7 =	simm.s32 @!p0 $0x108  }
0x21: {  	s3 =	sadd.s32 s3, s9;
	s6 =	sadd.s32 @!p0 $0x88, s6;
	s7 =	simm.s32 @p2 $0x1082  }
0x22: {  	[simem:s7], [sflag:s8] =	dma.local @!p0 [hbm:s6], $0xF7A  }
0x23: {  	s9 =	sor.u32 $0xD0000000, s2;
	s6 =	simm.s32 $0x108;
	_ =	swait.ge @!p0 [sflag:s8], $0x0  }
0x24: {  	s3 =	sadd.s32 $0x88, s3;
	s6 =	simm.s32 @!p1 $0x1082;
	[sflag:s4] =	ssyncset.s32 $0xFFFFF086  }
0x25: {  	[simem:s6], [sflag:s4] =	dma.local [hbm:s3], $0xF7A  }
0x26: {  	[smem:$0x3F9F] =	sst s1;
	(tag) =	ssettag s2;
	_ =	strace s9  }
0x27: {  	s1 =	sld [smem:$0x3FAF]  }
0x28: {  	s2 =	sld [smem:$0x3FB0]  }
0x29: {  	s4 =	sld [smem:$0x3FB2]  }
0x2a: {  	p0 =	seq.s32 s5, $0x0;
	s5 =	sld [smem:$0x3FB3]  }
0x2b: {  	s6 =	sld [smem:$0x3FB4]  }
0x2c: {  	s7 =	sld [smem:$0x3FB5]  }
0x2d: {  	s3 =	simm.s32 $0x108;
	s8 =	sld [smem:$0x3FB6]  }
0x2e: {  	s3 =	simm.s32 @!p0 $0x1082;
	s9 =	sld [smem:$0x3FB7]  }
0x2f: {  	lr =	sadd.s32 s0, s3;
	s0 =	sld [smem:$0x3FAE]  }
0x30: {  	s3 =	sld [smem:$0x3FB1]  }
0x31: {  	[smem:$0x3FBA] =	sst s10  }
0x32: {  	s10 =	sld [smem:$0x3FB8];
	_ =	sdelay $0x3  }
0x33: {  	p0 =	seq.s32 s10, $0x1;
	s10 =	sld [smem:$0x3FBA];
	_ =	sdelay $0x3  }
0x34: {  	[smem:$0x3FBA] =	sst s10  }
0x35: {  	s10 =	sld [smem:$0x3FB9];
	_ =	sdelay $0x3  }
0x36: {  	p1 =	seq.s32 s10, $0x1;
	s10 =	sld [smem:$0x3FBA];
	_ =	sdelay $0x3  }
0x37: {  	[smem:$0x3FBA] =	sst s10  }
0x38: {  	s10 =	sld [smem:$0x3FBB]  }
0x39: {  	_ = 	snop;
	(pc) =	sbr.ind lr, $3  }
0x3a: {  	_ = 	snop  }
0x3b: {  	_ = 	snop  }
0x3c: {  	p2 =	seq.s32 s10, $0x1;
	s10 =	sld [smem:$0x3FBA]  }
0x3d: {  	_ =	shalt  }
0x3e: {  	_ =	shalt  }
0x3f: {  	_ =	shalt  }
0x40: {  	_ =	shalt  }
0x41: {  	_ =	shalt  }
0x42: {  	_ =	shalt  }
0x43: {  	_ =	shalt  }
0x44: {  	_ =	shalt  }
0x45: {  	_ =	shalt  }
0x46: {  	_ =	shalt  }
0x47: {  	_ =	shalt  }
0x48: {  	_ =	shalt  }
0x49: {  	_ =	shalt  }
0x4a: {  	_ =	shalt  }
0x4b: {  	_ =	shalt  }
0x4c: {  	_ =	shalt  }
0x4d: {  	_ =	shalt  }
0x4e: {  	_ =	shalt  }
0x4f: {  	_ =	shalt  }
0x50: {  	_ =	shalt  }
0x51: {  	_ =	shalt  }
0x52: {  	_ =	shalt  }
0x53: {  	_ =	shalt  }
0x54: {  	_ =	shalt  }
0x55: {  	_ =	shalt  }
0x56: {  	_ =	shalt  }
0x57: {  	_ =	shalt  }
0x58: {  	_ =	shalt  }
0x59: {  	_ =	shalt  }
0x5a: {  	_ =	shalt  }
0x5b: {  	_ =	shalt  }
0x5c: {  	_ =	shalt  }
0x5d: {  	_ =	shalt  }
0x5e: {  	_ =	shalt  }
0x5f: {  	_ =	shalt  }
0x60: {  	_ =	shalt  }
0x61: {  	_ =	shalt  }
0x62: {  	_ =	shalt  }
0x63: {  	_ =	shalt  }
0x64: {  	_ =	shalt  }
0x65: {  	_ =	shalt  }
0x66: {  	_ =	shalt  }
0x67: {  	_ =	shalt  }
0x68: {  	_ =	shalt  }
0x69: {  	_ =	shalt  }
0x6a: {  	_ =	shalt  }
0x6b: {  	_ =	shalt  }
0x6c: {  	_ =	shalt  }
0x6d: {  	_ =	shalt  }
0x6e: {  	_ =	shalt  }
0x6f: {  	_ =	shalt  }
0x70: {  	_ =	shalt  }
0x71: {  	_ =	shalt  }
0x72: {  	_ =	shalt  }
0x73: {  	_ =	shalt  }
0x74: {  	_ =	shalt  }
0x75: {  	_ =	shalt  }
0x76: {  	_ =	shalt  }
0x77: {  	_ =	shalt  }
0x78: {  	_ =	shalt  }
0x79: {  	_ =	shalt  }
0x7a: {  	_ =	shalt  }
0x7b: {  	_ =	shalt  }
0x7c: {  	_ =	shalt  }
0x7d: {  	_ =	shalt  }
0x7e: {  	_ =	shalt  }
0x7f: {  	_ =	shalt  }
0x80: {  	_ =	shalt  }
0x81: {  	_ =	shalt  }
0x82: {  	_ =	shalt  }
0x83: {  	_ =	shalt  }
0x84: {  	_ =	shalt  }
0x85: {  	_ =	shalt  }
0x86: {  	_ =	shalt  }
0x87: {  	_ =	shalt  }
.Lfunc_end0:
.L_simem_size_0:
called_computation.1_lowered:
.L_overlay_start_0:
0x88: {  	s2 =	sld [smem:$0x3FD9]  }
0x89: {  	s3 =	sld [smem:$0x3FFE];
	_ =	sdelay $0x1  }
0x8a: {  	s1 =	srdreg.scid  }
0x8b: {  	s0 =	sand.u32 $0x1, s1  }
0x8c: {  	s17 =	sshll.u32 s0, $0xA;
	s2 =	sadd.s32 s3, s2  }
0x8d: {  	s2 =	sadd.s32 s2, s17  }
0x8e: {  	[smem:$0x3FC6] =	sst s2  }
0x8f: {  	_ = 	snop  }
0x90: {  	s2 =	sld [smem:$0x3FD0];
	(tm) =	ssettm $0x1  }
0x91: {  	s18 =	sld [smem:$0x3FFB];
	_ =	sdelay $0x3  }
0x92: {  	_ =	strace s18  }
0x93: {  	s3 =	sld [smem:$0x3FFC];
	_ =	sdelay $0x3  }
0x94: {  	_ =	strace s3  }
0x95: {  	s3 =	sld [smem:$0x3FFD];
	_ =	sdelay $0x3  }
0x96: {  	_ =	strace s3  }
0x97: {  	_ =	strace $0x8FFFFFFF  }
0x98: {  	s19 =	sld [smem:$0x3FDB];
	_ =	sdelay $0x1  }
0x99: {  	s4 =	simm.s32 $_scs_section_size  }
0x9a: {  	s5 =	simm.s32 $_size__tile_overlayer_lowered;
	s6 =	simm.s32 $_tile_overlayer_lowered  }
0x9b: {  	s22 =	simm.s32 $0x1BFF;
	s21 =	sshll.u32 s6, $0x1;
	s3 =	sadd.s32 s4, s19  }
0x9c: {  	s7 =	simm.s32 $0x0;
	s20 =	sshll.u32 s5, $0x1;
	s5 =	sadd.s32 s21, s3  }
0x9d: {  	[timem:s7], [sflag:s22] =	dma.local [hbm:s5], s20  }
0x9e: {  	_ =	swait.ge [sflag:s22], s20  }
0x9f: {  	s4 =	ssub.s32 $0x0, s20;
	[sflag:s22] =	ssyncset.done $0x0  }
0xa0: {  	[sflag:s22] =	ssyncadd.s32 s4;
	_ =	sdelay $0x1  }
0xa1: {  	s23 =	simm.s32 $0x1B8B  }
0xa2: {  	_ =	swait.ge [sflag:s23], $0x1  }
0xa3: {  	[sflag:s23] =	ssyncset.done $0x0  }
0xa4: {  	s25 =	simm.s32 $0x1B8E;
	s24 =	sld [smem:$0x3FFE];
	[sflag:s23] =	ssyncadd.s32 $0xFFFFFFFF  }
0xa5: {  	s26 =	simm.s32 $execute0_lowered;
	[smem:$0x3FD2] =	sst s25  }
0xa6: {  	s5 =	sshll.u32 s26, $0x1;
	_ =	strace $0x80000046;
	[dreg:$0x1] =	wrdreg $0xFFFFFFFF  }
0xa7: {  	s28 =	simm.s32 $_size_execute0_lowered;
	s3 =	sadd.s32 s3, s5;
	[dreg:$0x0] =	wrdreg $0x0  }
0xa8: {  	s5 =	sshll.u32 s28, $0x1;
	[dreg:$0x2] =	wrdreg s3  }
0xa9: {  	[dreg:$0x3] =	wrdreg s5  }
0xaa: {  	[dreg:$0x4] =	wrdreg $0xC0  }
0xab: {  	_ =	task [dreg:s7], $0x5FFFF  }
0xac: {  	[dreg:$0x1] =	wrdreg $0xFFFFFFFF  }
0xad: {  	[dreg:$0x0] =	wrdreg $0x60  }
0xae: {  	[dreg:$0x2] =	wrdreg s24  }
0xaf: {  	[dreg:$0x3] =	wrdreg s2  }
0xb0: {  	[dreg:$0x4] =	wrdreg $0x9  }
0xb1: {  	_ =	task.clear_ibuf [dreg:s7], $0x5FFFF;
	_ =	strace $0x90000046  }
0xb2: {  	s29 =	simm.s32 $0x9;
	_ =	strace $0x80000048  }
0xb3: {  	_ =	swait.ge [sflag:s29], $0x1  }
0xb4: {  	[sflag:s29] =	ssyncadd.s32 $0xFFFFFFFF  }
0xb5: {  	_ =	strace $0x90000048  }
0xb6: {  	_ =	sfence  }
0xb7: {  	s30 =	sld [smem:$0x0];
	_ =	sdelay $0x2  }
0xb8: {  	s31 =	sshll.u32 s1, $0xD;
	s1 =	sshrl.u32 s1, $0x2  }
0xb9: {  	s3 =	sand.u32 $0x4000, s31;
	s1 =	sadd.s32 s1, s30  }
0xba: {  	s0 =	sor.u32 s3, s0;
	s1 =	sshll.u32 s1, $0x11  }
0xbb: {  	s0 =	sor.u32 s1, s0  }
0xbc: {  	s0 =	sadd.s32 $0x8F2B, s0  }
0xbd: {  	[sflag:s0] =	ssyncadd.remote.s32 $0x1  }
0xbe: {  	_ =	sfence.sel $0xFFFF  }
0xbf: {  	[dreg:$0x0] =	wrdreg $0xFFFFFFFF;
	(pc) =	sbr.abs _section_cstart, $3  }
0xc0: {  	[dreg:$0x1] =	wrdreg $0xFFFFFFFF  }
0xc1: {  	_ =	task.clear_ibuf [dreg:s7], $0x2FFFF;
	_ =	strace $0x9FFFFFFF  }
0xc2: {  	(tm) =	ssettm $0x7FFFFFFF  }
0xc3: {  	_ =	shalt  }
tec
execute0_lowered:
.L_overlay_start_1:
0x0: {  	(tag) =	ssettag $0x1  }
0x1: {  	s1 =	srdreg.scid;
	s0 =	stileid.u32  }
0x2: {  	s3 =	rddreg [dreg:$0x0];
	s5 =	smul.u32 $0x6800, s0  }
0x3: {  	s6 =	rddreg [dreg:$0x1];
	s4 =	sand.u32 $0x1, s1;
	s25 =	smul.u32 $0xD0000, s0  }
0x4: {  	s2 =	simm.s32 $0x0;
	s7 =	sshll.u32 s0, $0x1;
	s8 =	smul.u32 $0x3400, s4  }
0x5: {  	s1 =	rddreg [dreg:$0x2];
	s7 =	sor.u32 s4, s7;
	s11 =	smul.u32 $0x68000, s4  }
0x6: {  	[smem:$0x7FF] =	sst s2;
	s22 =	ssub.s32 $0x2, s4;
	s7 =	smul.u32 $0x680, s7  }
0x7: {  	s9 =	sshrl.u32 s22, $0x1;
	s5 =	sadd.s32 s8, s5;
	s30 =	sadd.s32 s11, s25  }
0x8: {  	s8 =	ssub.s32 s22, s9;
	s5 =	sshll.u32 s5, $0x2;
	s9 =	sshrl.u32 s30, $0x3  }
0x9: {  	_ =	strace $0x80000047;
	s5 =	sadd.s32 s5, s6;
	s6 =	sadd.s32 s9, s6  }
0xa: {  	s7 =	sadd.s32 s7, s3;
	s10 =	sadd.s32 $0xC00, s5;
	[dreg:$0x3] =	wrdreg s6  }
0xb: {  	s3 =	sadd.s32 $0x27ACE00, s3;
	s23 =	sadd.s32 $0xA00, s5;
	[dreg:$0x9] =	wrdreg s10  }
0xc: {  	s4 =	sadd.s32 $0xA00, s7;
	s24 =	sadd.s32 $0x800, s5;
	[dreg:$0x8] =	wrdreg s23  }
0xd: {  	s7 =	simm.s32 $0x80;
	s26 =	sadd.s32 $0x600, s5;
	[dreg:$0x7] =	wrdreg s24  }
0xe: {  	s9 =	simm.s32 $0x2;
	s28 =	sadd.s32 $0x400, s5;
	[dreg:$0x6] =	wrdreg s26  }
0xf: {  	s29 =	sadd.s32 $0x200, s5;
	s31 =	sadd.s32 $0xE00, s5;
	[dreg:$0x5] =	wrdreg s28  }
0x10: {  	s5 =	smax.u32 s8, $0x1;
	s6 =	simm.s32 $0x3;
	[dreg:$0x4] =	wrdreg s29  }
0x11: {  	v0 =	vlaneseq.u32;
	s8 =	simm.s32 $0x1;
	[dreg:$0xa] =	wrdreg s31;
	s10 =	simm.s32 $0x0  }
.LBB2_1:
0x12: {  	s11 =	simm.s32 $0x40  }
0x13: {  	s12 =	simm.s32 $0x20;
	v3 =	vor.u32 s11, v0  }
0x14: {  	s26 =	simm.s32 $0x30;
	v5 =	vor.u32 s12, v0;
	v6 =	vmulhi.u32 $0x4EC4EC4F, v3  }
0x15: {  	s13 =	simm.s32 $0x50;
	v1 =	vor.u32 s26, v0;
	v2 =	vmulhi.u32 $0x4EC4EC4F, v5  }
0x16: {  	s29 =	simm.s32 $0x60;
	v7 =	vor.u32 s13, v0;
	v9 =	vmulhi.u32 $0x4EC4EC4F, v1  }
0x17: {  	s28 =	simm.s32 $0x0;
	v4 =	vor.u32 s29, v0;
	v11 =	vmulhi.u32 $0x4EC4EC4F, v7  }
0x18: {  	s31 =	simm.s32 $0x70;
	v8 =	vor.u32 s28, v0;
	v12 =	vmulhi.u32 $0x4EC4EC4F, v4  }
0x19: {  	[tilespmem:s2], [sflag:$0x3] =	stream.linear.gather [hbm4b:s4+s2], $0x3400, $0x38;
	v14 =	vor.u32 s31, v0;
	v13 =	vmulhi.u32 $0x4EC4EC4F, v8;
	[tilespmem:$0x13400] =	vst v63  }
0x1a: {  	s30 =	simm.s32 $0x10;
	_ =	swait.ge [sflag:s6], $0x3400;
	v15 =	vmulhi.u32 $0x4EC4EC4F, v14  }
0x1b: {  	[sflag:s6] =	ssyncset.done $0x0;
	v10 =	vshrl.u32 v2, $0x3;
	v2 =	vor.u32 s30, v0;
	v6 =	vshrl.u32 v6, $0x3  }
0x1c: {  	s11 =	simm.s32 $0x40;
	[sflag:s6] =	ssyncadd.s32 $0xFFFFCC00;
	v11 =	vshrl.u32 v11, $0x3;
	v12 =	vshrl.u32 v12, $0x3;
	v9 =	vshrl.u32 v9, $0x3  }
0x1d: {  	v17 =	vld [tilespmem:s11+$0x30];
	v13 =	vshrl.u32 v13, $0x3;
	v15 =	vshrl.u32 v15, $0x3;
	v10 =	vmul.u32 $0x1A, v10  }
0x1e: {  	v18 =	vld [tilespmem:s11+$0xFFFFFFC0];
	v6 =	vmul.u32 $0x1A, v6;
	v16 =	vmulhi.u32 $0x4EC4EC4F, v2;
	v11 =	vmul.u32 $0x1A, v11  }
0x1f: {  	v19 =	vld [tilespmem:s11+$0x10];
	v5 =	vsub.s32 v5, v10;
	v10 =	vmul.u32 $0x1A, v13;
	v13 =	vmul.u32 $0x1A, v15  }
0x20: {  	v11 =	vsub.s32 v7, v11;
	v15 =	vshrl.u32 v16, $0x3;
	v6 =	vsub.s32 v3, v6  }
0x21: {  	v7 =	vmul.u32 $0x186A0, v5;
	v5 =	vsub.s32 v8, v10;
	v8 =	vsub.s32 v14, v13  }
0x22: {  	v3 =	vld [tilespmem:s11+$0xFFFFFFF0];
	v10 =	vmul.u32 $0x186A0, v11;
	v13 =	vmul.u32 $0x186A0, v5;
	v14 =	vmul.u32 $0x186A0, v8  }
0x23: {  	v12 =	vmul.u32 $0x1A, v12;
	v11 =	vmul.u32 $0x1A, v15;
	v5 =	vld [tilespmem:s11+$0xFFFFFFE0];
	v8 =	vmul.u32 $0x186A0, v6  }
0x24: {  	s12 =	simm.s32 $0xF0;
	s13 =	simm.s32 $0xC0;
	v6 =	vld [tilespmem:s11+$0x20];
	v10 =	vadd.s32 v10, v19;
	v13 =	vadd.s32 v13, v18;
	v14 =	vadd.s32 v14, v17  }
.LBB2_2:
0x25: {  	s14 =	sadd.s32 $0xFFFFFF90, s12  }
0x26: {  	s15 =	sadd.s32 $0xFFFFFFA0, s12;
	s16 =	sadd.s32 $0xFFFFFFB0, s12;
	v15 =	vld [tilespmem:s13+$0xFFFFFFF0];
	v11 =	vsub.s32 v2, v11;
	v9 =	vmul.u32 $0x1A, v9;
	v4 =	vsub.s32 v4, v12;
	[tilespmem:s11+$0x30] =	vst v14;
	s17 =	smov.u32 s12  }
0x27: {  	v12 =	vor.u32 s14, v0;
	v2 =	vor.u32 s15, v0;
	v14 =	vor.u32 s16, v0;
	s14 =	sadd.s32 $0xFFFFFFC0, s12;
	s15 =	sadd.s32 $0xFFFFFFD0, s12;
	s16 =	sadd.s32 $0xFFFFFFE0, s12;
	[tilespmem:s11+$0xFFFFFFC0] =	vst v13;
	v13 =	vld [tilespmem:s11+$0xFFFFFFD0]  }
0x28: {  	p0 =	sne.s32 s12, $0x33F0;
	s12 =	sadd.s32 $0x80, s12;
	v19 =	vmul.u32 $0x186A0, v4;
	v16 =	vor.u32 s14, v0;
	v17 =	vor.u32 s15, v0;
	s14 =	sadd.s32 $0xFFFFFFF0, s17;
	v18 =	vld [tilespmem:s11+$0x0]  }
0x29: {  	v20 =	vor.u32 s16, v0;
	v9 =	vsub.s32 v1, v9;
	v4 =	vor.u32 s14, v0;
	v1 =	vmovc v16  }
0x2a: {  	v11 =	vmul.u32 $0x186A0, v11;
	v16 =	vmulhi.u32 $0x4EC4EC4F, v17;
	v9 =	vmul.u32 $0x186A0, v9  }
0x2b: {  	v5 =	vadd.s32 v7, v5;
	v21 =	vmulhi.u32 $0x4EC4EC4F, v14;
	v6 =	vadd.s32 v19, v6;
	[tilespmem:s11+$0x10] =	vst v10  }
0x2c: {  	v7 =	vmulhi.u32 $0x4EC4EC4F, v1;
	v9 =	vadd.s32 v9, v3;
	v3 =	vmovc v15;
	v10 =	vadd.s32 v11, v13;
	[tilespmem:s11+$0xFFFFFFE0] =	vst v5  }
0x2d: {  	v11 =	vshrl.u32 v21, $0x3;
	v13 =	vmulhi.u32 $0x4EC4EC4F, v20;
	v5 =	vld [tilespmem:s13+$0xFFFFFFE0];
	v8 =	vadd.s32 v8, v18;
	[tilespmem:s11+$0x20] =	vst v6  }
0x2e: {  	v15 =	vshrl.u32 v16, $0x3;
	v16 =	vmulhi.u32 $0x4EC4EC4F, v4;
	v11 =	vmul.u32 $0x1A, v11;
	v6 =	vld [tilespmem:s13+$0x20];
	[tilespmem:s11+$0x0] =	vst v8  }
0x2f: {  	v18 =	vor.u32 s17, v0;
	v8 =	vmulhi.u32 $0x4EC4EC4F, v12;
	v13 =	vshrl.u32 v13, $0x3;
	[tilespmem:s11+$0xFFFFFFF0] =	vst v9  }
0x30: {  	v15 =	vmul.u32 $0x1A, v15;
	v16 =	vshrl.u32 v16, $0x3;
	v19 =	vmulhi.u32 $0x4EC4EC4F, v18;
	[tilespmem:s11+$0xFFFFFFD0] =	vst v10;
	s11 =	smov.u32 s13  }
0x31: {  	v9 =	vshrl.u32 v7, $0x3;
	v7 =	vmul.u32 $0x1A, v13;
	v10 =	vmulhi.u32 $0x4EC4EC4F, v2;
	v21 =	vld [tilespmem:s13+$0x30]  }
0x32: {  	v11 =	vsub.s32 v14, v11;
	v8 =	vshrl.u32 v8, $0x3;
	v14 =	vshrl.u32 v19, $0x3;
	v13 =	vld [tilespmem:s13+$0xFFFFFFC0]  }
0x33: {  	v8 =	vmul.u32 $0x1A, v8;
	v19 =	vsub.s32 v20, v7;
	v14 =	vmul.u32 $0x1A, v14;
	v20 =	vld [tilespmem:s13+$0x10]  }
.Ltmp0:
0x34: {  	v15 =	vsub.s32 v17, v15;
	v7 =	vmul.u32 $0x186A0, v11;
	v10 =	vshrl.u32 v10, $0x3;
	(pc) =	sbr.rel @p0 .LBB2_2-.Ltmp0, $4  }
0x35: {  	v17 =	vmul.u32 $0x186A0, v19;
	v8 =	vsub.s32 v12, v8;
	v11 =	vsub.s32 v18, v14  }
0x36: {  	v12 =	vmul.u32 $0x1A, v16;
	v14 =	vmul.u32 $0x186A0, v8;
	v16 =	vmul.u32 $0x186A0, v11  }
0x37: {  	v11 =	vmul.u32 $0x1A, v10;
	v8 =	vmul.u32 $0x186A0, v15  }
0x38: {  	s13 =	sadd.s32 $0x80, s13;
	v13 =	vadd.s32 v14, v13;
	v14 =	vadd.s32 v16, v21;
	v10 =	vadd.s32 v17, v20  }
0x39: {  	v61 =	vld [tilespmem:s11+$0x0]  }
0x3a: {  	[tilespmem:s11+$0x30] =	vst v14;
	v9 =	vmul.u32 $0x1A, v9;
	v4 =	vsub.s32 v4, v12  }
0x3b: {  	[tilespmem:s11+$0xFFFFFFC0] =	vst v13;
	v62 =	vld [tilespmem:s11+$0xFFFFFFD0];
	v4 =	vmul.u32 $0x186A0, v4  }
0x3c: {  	v5 =	vadd.s32 v7, v5;
	[tilespmem:s11+$0x10] =	vst v10;
	v1 =	vsub.s32 v1, v9  }
0x3d: {  	v2 =	vsub.s32 v2, v11;
	[tilespmem:s11+$0xFFFFFFE0] =	vst v5;
	v1 =	vmul.u32 $0x186A0, v1;
	v4 =	vadd.s32 v4, v6  }
0x3e: {  	v2 =	vmul.u32 $0x186A0, v2;
	[tilespmem:s11+$0x20] =	vst v4;
	v63 =	vadd.s32 v8, v61  }
0x3f: {  	p0 =	por $0x1, $0x1;
	v1 =	vadd.s32 v1, v3;
	[tilespmem:s11+$0x0] =	vst v63  }
0x40: {  	p0 =	por p0, p0;
	v2 =	vadd.s32 v2, v62;
	[tilespmem:s11+$0xFFFFFFF0] =	vst v1  }
0x41: {  	[tilespmem:s11+$0xFFFFFFD0] =	vst v2;
	s11 =	simm.s32 @!p0 $0x2  }
0x42: {  	_ =	swait.ge @!p0 [sflag:s11], $0x1000  }
0x43: {  	[sflag:s11] =	ssyncset.done @!p0 $0x0  }
0x44: {  	[sflag:s11] =	ssyncadd.s32 @!p0 $0xFFFFF000  }
0x45: {  	_ =	swait.ge @!p0 [sflag:s11], $0x1000  }
0x46: {  	[sflag:s11] =	ssyncset.done @!p0 $0x0  }
0x47: {  	[sflag:s11] =	ssyncadd.s32 @!p0 $0xFFFFF000  }
0x48: {  	_ =	swait.ge @!p0 [sflag:s11], $0x1000  }
0x49: {  	[sflag:s11] =	ssyncset.done @!p0 $0x0  }
0x4a: {  	[sflag:s11] =	ssyncadd.s32 @!p0 $0xFFFFF000  }
0x4b: {  	_ =	swait.ge @!p0 [sflag:s11], $0x1000  }
0x4c: {  	[sflag:s11] =	ssyncset.done @!p0 $0x0  }
0x4d: {  	[sflag:s11] =	ssyncadd.s32 @!p0 $0xFFFFF000  }
0x4e: {  	_ =	swait.ge @!p0 [sflag:s11], $0x1000  }
0x4f: {  	[sflag:s11] =	ssyncset.done @!p0 $0x0  }
0x50: {  	[sflag:s11] =	ssyncadd.s32 @!p0 $0xFFFFF000  }
0x51: {  	_ =	swait.ge @!p0 [sflag:s11], $0x1000  }
0x52: {  	[sflag:s11] =	ssyncset.done @!p0 $0x0  }
0x53: {  	[sflag:s11] =	ssyncadd.s32 @!p0 $0xFFFFF000  }
0x54: {  	_ =	swait.ge @!p0 [sflag:s11], $0x1000  }
0x55: {  	[sflag:s11] =	ssyncset.done @!p0 $0x0  }
0x56: {  	[sflag:s11] =	ssyncadd.s32 @!p0 $0xFFFFF000  }
0x57: {  	s12 =	simm.s32 $0x0;
	_ =	swait.ge @!p0 [sflag:s11], $0x1000  }
0x58: {  	s12 =	sand.u32 $0x8000, s12;
	[sflag:s11] =	ssyncset.done @!p0 $0x0  }
0x59: {  	s13 =	simm.s32 $0x0;
	s28 =	sor.u32 $0x3400, s12;
	[sflag:s11] =	ssyncadd.s32 @!p0 $0xFFFFF000  }
0x5a: {  	[tilespmem:s28], [sflag:$0x1] =	stream.indirect.gather [hbm4b:s3+s7], $0x20, s13, s7, $0xb8;
	[tilespmem:$0x13400] =	vst v63  }
0x5b: {  	s14 =	simm.s32 $0x80;
	s29 =	sor.u32 $0x4400, s12  }
0x5c: {  	[tilespmem:s29], [sflag:$0x1] =	stream.indirect.gather [hbm4b:s3+s7], $0x20, s14, s7, $0xb8;
	[tilespmem:$0x13400] =	vst v63  }
0x5d: {  	s15 =	simm.s32 $0x100;
	s30 =	sor.u32 $0x5400, s12  }
0x5e: {  	[tilespmem:s30], [sflag:$0x1] =	stream.indirect.gather [hbm4b:s3+s7], $0x20, s15, s7, $0xb8;
	[tilespmem:$0x13400] =	vst v63  }
0x5f: {  	s16 =	simm.s32 $0x180;
	s31 =	sor.u32 $0x6400, s12  }
0x60: {  	[tilespmem:s31], [sflag:$0x1] =	stream.indirect.gather [hbm4b:s3+s7], $0x20, s16, s7, $0xb8;
	[tilespmem:$0x13400] =	vst v63  }
0x61: {  	s18 =	simm.s32 $0x200;
	s17 =	sor.u32 $0x7400, s12  }
0x62: {  	[tilespmem:s17], [sflag:$0x1] =	stream.indirect.gather [hbm4b:s3+s7], $0x20, s18, s7, $0xb8;
	[tilespmem:$0x13400] =	vst v63  }
0x63: {  	s19 =	simm.s32 $0x280;
	s18 =	sadd.s32 $0x8400, s12  }
0x64: {  	[tilespmem:s18], [sflag:$0x1] =	stream.indirect.gather [hbm4b:s3+s7], $0x20, s19, s7, $0xb8;
	[tilespmem:$0x13400] =	vst v63  }
0x65: {  	s20 =	simm.s32 $0x300;
	s19 =	sadd.s32 $0x9400, s12  }
0x66: {  	[tilespmem:s19], [sflag:$0x1] =	stream.indirect.gather [hbm4b:s3+s7], $0x20, s20, s7, $0xb8;
	[tilespmem:$0x13400] =	vst v63  }
0x67: {  	s21 =	simm.s32 $0x380;
	s16 =	sadd.s32 $0xA400, s12  }
0x68: {  	[tilespmem:s16], [sflag:$0x1] =	stream.indirect.gather [hbm4b:s3+s7], $0x20, s21, s7, $0xb8;
	[tilespmem:$0x13400] =	vst v63  }
0x69: {  	_ =	swait.ge [sflag:s8], $0x1000  }
0x6a: {  	[sflag:s8] =	ssyncset.done $0x0  }
0x6b: {  	[sflag:s8] =	ssyncadd.s32 $0xFFFFF000  }
0x6c: {  	_ =	swait.ge [sflag:s8], $0x1000  }
0x6d: {  	[sflag:s8] =	ssyncset.done $0x0  }
0x6e: {  	[sflag:s8] =	ssyncadd.s32 $0xFFFFF000  }
0x6f: {  	_ =	swait.ge [sflag:s8], $0x1000  }
0x70: {  	[sflag:s8] =	ssyncset.done $0x0  }
0x71: {  	[sflag:s8] =	ssyncadd.s32 $0xFFFFF000  }
0x72: {  	_ =	swait.ge [sflag:s8], $0x1000  }
0x73: {  	[sflag:s8] =	ssyncset.done $0x0  }
0x74: {  	[sflag:s8] =	ssyncadd.s32 $0xFFFFF000  }
0x75: {  	_ =	swait.ge [sflag:s8], $0x1000  }
0x76: {  	[sflag:s8] =	ssyncset.done $0x0  }
0x77: {  	[sflag:s8] =	ssyncadd.s32 $0xFFFFF000  }
0x78: {  	_ =	swait.ge [sflag:s8], $0x1000  }
0x79: {  	[sflag:s8] =	ssyncset.done $0x0  }
0x7a: {  	[sflag:s8] =	ssyncadd.s32 $0xFFFFF000  }
0x7b: {  	_ =	swait.ge [sflag:s8], $0x1000  }
0x7c: {  	[sflag:s8] =	ssyncset.done $0x0  }
0x7d: {  	[sflag:s8] =	ssyncadd.s32 $0xFFFFF000  }
0x7e: {  	_ =	swait.ge [sflag:s8], $0x1000  }
0x7f: {  	s22 =	rddreg [dreg:$0x3];
	[sflag:s8] =	ssyncset.done $0x0  }
0x80: {  	s20 =	rddreg [dreg:$0x4];
	[sflag:s8] =	ssyncadd.s32 $0xFFFFF000;
	s12 =	sadd.s32 $0x0, s22  }
0x81: {  	[hbm4b:s12+s2] =	stream.linear.scatter [tilespmem:s28], [sflag:$0x2], $0x1000, $0x38;
	[tilespmem:$0x13400] =	vst v63  }
0x82: {  	s21 =	rddreg [dreg:$0x5];
	s24 =	sadd.s32 $0x0, s20  }
0x83: {  	[hbm4b:s24+s2] =	stream.linear.scatter [tilespmem:s29], [sflag:$0x2], $0x1000, $0x38;
	[tilespmem:$0x13400] =	vst v63  }
0x84: {  	s23 =	rddreg [dreg:$0x6];
	s26 =	sadd.s32 $0x0, s21  }
0x85: {  	[hbm4b:s26+s2] =	stream.linear.scatter [tilespmem:s30], [sflag:$0x2], $0x1000, $0x38;
	[tilespmem:$0x13400] =	vst v63  }
0x86: {  	p6 =	por $0x1, $0x1;
	s25 =	rddreg [dreg:$0x7];
	s11 =	sadd.s32 $0x0, s23  }
0x87: {  	[hbm4b:s11+s2] =	stream.linear.scatter [tilespmem:s31], [sflag:$0x2], $0x1000, $0x38;
	[tilespmem:$0x13400] =	vst v63  }
0x88: {  	p0 =	por p6, p6;
	s28 =	rddreg [dreg:$0x8];
	s12 =	sadd.s32 $0x0, s25  }
0x89: {  	[hbm4b:s12+s2] =	stream.linear.scatter [tilespmem:s17], [sflag:$0x2], $0x1000, $0x38;
	[tilespmem:$0x13400] =	vst v63  }
0x8a: {  	s13 =	simm.s32 $0x2000;
	s29 =	rddreg [dreg:$0x9];
	s30 =	sadd.s32 $0x0, s28  }
0x8b: {  	[hbm4b:s30+s2] =	stream.linear.scatter [tilespmem:s18], [sflag:$0x2], $0x1000, $0x38;
	[tilespmem:$0x13400] =	vst v63  }
0x8c: {  	s14 =	simm.s32 $0x2;
	s31 =	rddreg [dreg:$0xa];
	s11 =	sadd.s32 $0x0, s29  }
0x8d: {  	[hbm4b:s11+s2] =	stream.linear.scatter [tilespmem:s19], [sflag:$0x2], $0x1000, $0x38;
	[tilespmem:$0x13400] =	vst v63  }
0x8e: {  	s15 =	sadd.s32 $0x0, s31;
	s12 =	simm.s32 $0x8000;
	s11 =	simm.s32 $0x1000  }
.LBB2_4:
0x8f: {  	[hbm4b:s15+s2] =	stream.linear.scatter [tilespmem:s16], [sflag:$0x2], $0x1000, $0x38;
	[tilespmem:$0x13400] =	vst v63  }
0x90: {  	s16 =	simm.s32 @!p0 $0x2  }
0x91: {  	_ =	swait.ge @!p0 [sflag:s16], $0x1000  }
0x92: {  	[sflag:s16] =	ssyncset.done @!p0 $0x0  }
0x93: {  	[sflag:s16] =	ssyncadd.s32 @!p0 $0xFFFFF000  }
0x94: {  	_ =	swait.ge @!p0 [sflag:s16], $0x1000  }
0x95: {  	[sflag:s16] =	ssyncset.done @!p0 $0x0  }
0x96: {  	[sflag:s16] =	ssyncadd.s32 @!p0 $0xFFFFF000  }
0x97: {  	_ =	swait.ge @!p0 [sflag:s16], $0x1000  }
0x98: {  	[sflag:s16] =	ssyncset.done @!p0 $0x0  }
0x99: {  	[sflag:s16] =	ssyncadd.s32 @!p0 $0xFFFFF000  }
0x9a: {  	_ =	swait.ge @!p0 [sflag:s16], $0x1000  }
0x9b: {  	[sflag:s16] =	ssyncset.done @!p0 $0x0  }
0x9c: {  	[sflag:s16] =	ssyncadd.s32 @!p0 $0xFFFFF000  }
0x9d: {  	_ =	swait.ge @!p0 [sflag:s16], $0x1000  }
0x9e: {  	[sflag:s16] =	ssyncset.done @!p0 $0x0  }
0x9f: {  	[sflag:s16] =	ssyncadd.s32 @!p0 $0xFFFFF000  }
0xa0: {  	_ =	swait.ge @!p0 [sflag:s16], $0x1000  }
0xa1: {  	[sflag:s16] =	ssyncset.done @!p0 $0x0  }
0xa2: {  	[sflag:s16] =	ssyncadd.s32 @!p0 $0xFFFFF000  }
0xa3: {  	_ =	swait.ge @!p0 [sflag:s16], $0x1000  }
0xa4: {  	[sflag:s16] =	ssyncset.done @!p0 $0x0  }
0xa5: {  	[sflag:s16] =	ssyncadd.s32 @!p0 $0xFFFFF000  }
0xa6: {  	_ =	swait.ge @!p0 [sflag:s16], $0x1000  }
0xa7: {  	s15 =	smov.u32 s11;
	s24 =	sand.u32 $0x8000, s12;
	[sflag:s16] =	ssyncset.done @!p0 $0x0  }
0xa8: {  	s17 =	sor.u32 $0x3400, s24;
	s25 =	sshra.s32 s15, $0x2;
	[sflag:s16] =	ssyncadd.s32 @!p0 $0xFFFFF000  }
0xa9: {  	[tilespmem:s17], [sflag:$0x1] =	stream.indirect.gather [hbm4b:s3+s7], $0x20, s25, s7, $0xb8;
	[tilespmem:$0x13400] =	vst v63  }
0xaa: {  	s18 =	sor.u32 $0x4400, s24;
	s20 =	sadd.s32 $0x80, s25  }
0xab: {  	[tilespmem:s18], [sflag:$0x1] =	stream.indirect.gather [hbm4b:s3+s7], $0x20, s20, s7, $0xb8;
	[tilespmem:$0x13400] =	vst v63  }
0xac: {  	s19 =	sor.u32 $0x5400, s24;
	s21 =	sadd.s32 $0x100, s25  }
0xad: {  	[tilespmem:s19], [sflag:$0x1] =	stream.indirect.gather [hbm4b:s3+s7], $0x20, s21, s7, $0xb8;
	[tilespmem:$0x13400] =	vst v63  }
0xae: {  	s22 =	sadd.s32 $0x180, s25;
	s20 =	sor.u32 $0x6400, s24  }
0xaf: {  	[tilespmem:s20], [sflag:$0x1] =	stream.indirect.gather [hbm4b:s3+s7], $0x20, s22, s7, $0xb8;
	[tilespmem:$0x13400] =	vst v63  }
0xb0: {  	s23 =	sadd.s32 $0x200, s25;
	s21 =	sor.u32 $0x7400, s24  }
0xb1: {  	[tilespmem:s21], [sflag:$0x1] =	stream.indirect.gather [hbm4b:s3+s7], $0x20, s23, s7, $0xb8;
	[tilespmem:$0x13400] =	vst v63  }
0xb2: {  	s26 =	sadd.s32 $0x280, s25;
	s22 =	sadd.s32 $0x8400, s24  }
0xb3: {  	[tilespmem:s22], [sflag:$0x1] =	stream.indirect.gather [hbm4b:s3+s7], $0x20, s26, s7, $0xb8;
	[tilespmem:$0x13400] =	vst v63  }
0xb4: {  	s28 =	sadd.s32 $0x300, s25;
	s23 =	sadd.s32 $0x9400, s24  }
0xb5: {  	[tilespmem:s23], [sflag:$0x1] =	stream.indirect.gather [hbm4b:s3+s7], $0x20, s28, s7, $0xb8;
	[tilespmem:$0x13400] =	vst v63  }
0xb6: {  	s29 =	sadd.s32 $0x380, s25;
	s16 =	sadd.s32 $0xA400, s24  }
0xb7: {  	[tilespmem:s16], [sflag:$0x1] =	stream.indirect.gather [hbm4b:s3+s7], $0x20, s29, s7, $0xb8;
	[tilespmem:$0x13400] =	vst v63  }
0xb8: {  	_ =	swait.ge [sflag:s8], $0x1000  }
0xb9: {  	[sflag:s8] =	ssyncset.done $0x0  }
0xba: {  	[sflag:s8] =	ssyncadd.s32 $0xFFFFF000  }
0xbb: {  	_ =	swait.ge [sflag:s8], $0x1000  }
0xbc: {  	[sflag:s8] =	ssyncset.done $0x0  }
0xbd: {  	[sflag:s8] =	ssyncadd.s32 $0xFFFFF000  }
0xbe: {  	_ =	swait.ge [sflag:s8], $0x1000  }
0xbf: {  	[sflag:s8] =	ssyncset.done $0x0  }
0xc0: {  	[sflag:s8] =	ssyncadd.s32 $0xFFFFF000  }
0xc1: {  	_ =	swait.ge [sflag:s8], $0x1000  }
0xc2: {  	[sflag:s8] =	ssyncset.done $0x0  }
0xc3: {  	[sflag:s8] =	ssyncadd.s32 $0xFFFFF000  }
0xc4: {  	_ =	swait.ge [sflag:s8], $0x1000  }
0xc5: {  	[sflag:s8] =	ssyncset.done $0x0  }
0xc6: {  	[sflag:s8] =	ssyncadd.s32 $0xFFFFF000  }
0xc7: {  	_ =	swait.ge [sflag:s8], $0x1000  }
0xc8: {  	[sflag:s8] =	ssyncset.done $0x0  }
0xc9: {  	[sflag:s8] =	ssyncadd.s32 $0xFFFFF000  }
0xca: {  	_ =	swait.ge [sflag:s8], $0x1000  }
0xcb: {  	[sflag:s8] =	ssyncset.done $0x0  }
0xcc: {  	[sflag:s8] =	ssyncadd.s32 $0xFFFFF000  }
0xcd: {  	_ =	swait.ge [sflag:s8], $0x1000  }
0xce: {  	s30 =	rddreg [dreg:$0x3];
	[sflag:s8] =	ssyncset.done $0x0  }
0xcf: {  	s31 =	rddreg [dreg:$0x4];
	[sflag:s8] =	ssyncadd.s32 $0xFFFFF000;
	s24 =	sadd.s32 s15, s30  }
0xd0: {  	[hbm4b:s24+s2] =	stream.linear.scatter [tilespmem:s17], [sflag:$0x2], $0x1000, $0x38;
	[tilespmem:$0x13400] =	vst v63  }
0xd1: {  	s11 =	smov.u32 s13;
	s26 =	rddreg [dreg:$0x5];
	s25 =	sadd.s32 s15, s31  }
0xd2: {  	[hbm4b:s25+s2] =	stream.linear.scatter [tilespmem:s18], [sflag:$0x2], $0x1000, $0x38;
	[tilespmem:$0x13400] =	vst v63  }
0xd3: {  	p2 =	slt.u32 s14, $0x2;
	s28 =	rddreg [dreg:$0x6];
	s30 =	sadd.s32 s15, s26  }
0xd4: {  	[hbm4b:s30+s2] =	stream.linear.scatter [tilespmem:s19], [sflag:$0x2], $0x1000, $0x38;
	[tilespmem:$0x13400] =	vst v63  }
0xd5: {  	s13 =	sadd.s32 $0x1000, s13;
	s29 =	rddreg [dreg:$0x7];
	s25 =	sadd.s32 s15, s28  }
0xd6: {  	[hbm4b:s25+s2] =	stream.linear.scatter [tilespmem:s20], [sflag:$0x2], $0x1000, $0x38;
	[tilespmem:$0x13400] =	vst v63  }
0xd7: {  	p1 =	sne.s32 s13, $0xD000;
	s31 =	rddreg [dreg:$0x8];
	s28 =	sadd.s32 s15, s29  }
0xd8: {  	[hbm4b:s28+s2] =	stream.linear.scatter [tilespmem:s21], [sflag:$0x2], $0x1000, $0x38;
	[tilespmem:$0x13400] =	vst v63  }
.Ltmp1:
0xd9: {  	s14 =	sadd.s32 $0x1, s14;
	s26 =	rddreg [dreg:$0x9];
	(pc) =	sbr.rel @p1 .LBB2_4-.Ltmp1, $4  }
0xda: {  	s12 =	sadd.s32 $0x8000, s12;
	s29 =	rddreg [dreg:$0xa];
	s30 =	sadd.s32 s15, s31  }
0xdb: {  	[hbm4b:s30+s2] =	stream.linear.scatter [tilespmem:s22], [sflag:$0x2], $0x1000, $0x38;
	[tilespmem:$0x13400] =	vst v63  }
0xdc: {  	p0 =	por p2, p2;
	s31 =	sadd.s32 s15, s26;
	s15 =	sadd.s32 s15, s29  }
0xdd: {  	[hbm4b:s31+s2] =	stream.linear.scatter [tilespmem:s23], [sflag:$0x2], $0x1000, $0x38;
	[tilespmem:$0x13400] =	vst v63  }
0xde: {  	[hbm4b:s15+s2] =	stream.linear.scatter [tilespmem:s16], [sflag:$0x2], $0x1000, $0x38;
	[tilespmem:$0x13400] =	vst v63  }
0xdf: {  	s13 =	simm.s32 @!p0 $0x2  }
0xe0: {  	_ =	swait.ge @!p0 [sflag:s13], $0x1000  }
0xe1: {  	[sflag:s13] =	ssyncset.done @!p0 $0x0  }
0xe2: {  	[sflag:s13] =	ssyncadd.s32 @!p0 $0xFFFFF000  }
0xe3: {  	_ =	swait.ge @!p0 [sflag:s13], $0x1000  }
0xe4: {  	[sflag:s13] =	ssyncset.done @!p0 $0x0  }
0xe5: {  	[sflag:s13] =	ssyncadd.s32 @!p0 $0xFFFFF000  }
0xe6: {  	_ =	swait.ge @!p0 [sflag:s13], $0x1000  }
0xe7: {  	[sflag:s13] =	ssyncset.done @!p0 $0x0  }
0xe8: {  	[sflag:s13] =	ssyncadd.s32 @!p0 $0xFFFFF000  }
0xe9: {  	_ =	swait.ge @!p0 [sflag:s13], $0x1000  }
0xea: {  	[sflag:s13] =	ssyncset.done @!p0 $0x0  }
0xeb: {  	[sflag:s13] =	ssyncadd.s32 @!p0 $0xFFFFF000  }
0xec: {  	_ =	swait.ge @!p0 [sflag:s13], $0x1000  }
0xed: {  	[sflag:s13] =	ssyncset.done @!p0 $0x0  }
0xee: {  	[sflag:s13] =	ssyncadd.s32 @!p0 $0xFFFFF000  }
0xef: {  	_ =	swait.ge @!p0 [sflag:s13], $0x1000  }
0xf0: {  	[sflag:s13] =	ssyncset.done @!p0 $0x0  }
0xf1: {  	[sflag:s13] =	ssyncadd.s32 @!p0 $0xFFFFF000  }
0xf2: {  	_ =	swait.ge @!p0 [sflag:s13], $0x1000  }
0xf3: {  	[sflag:s13] =	ssyncset.done @!p0 $0x0  }
0xf4: {  	[sflag:s13] =	ssyncadd.s32 @!p0 $0xFFFFF000  }
0xf5: {  	_ =	swait.ge @!p0 [sflag:s13], $0x1000  }
0xf6: {  	s12 =	sand.u32 $0x8000, s12;
	[sflag:s13] =	ssyncset.done @!p0 $0x0  }
0xf7: {  	s14 =	sshra.s32 s11, $0x2;
	s24 =	sor.u32 $0x3400, s12;
	[sflag:s13] =	ssyncadd.s32 @!p0 $0xFFFFF000  }
0xf8: {  	[tilespmem:s24], [sflag:$0x1] =	stream.indirect.gather [hbm4b:s3+s7], $0x20, s14, s7, $0xb8;
	[tilespmem:$0x13400] =	vst v63  }
0xf9: {  	s25 =	sor.u32 $0x4400, s12;
	s26 =	sadd.s32 $0x80, s14  }
0xfa: {  	[tilespmem:s25], [sflag:$0x1] =	stream.indirect.gather [hbm4b:s3+s7], $0x20, s26, s7, $0xb8;
	[tilespmem:$0x13400] =	vst v63  }
0xfb: {  	s28 =	sor.u32 $0x5400, s12;
	s17 =	sadd.s32 $0x100, s14  }
0xfc: {  	[tilespmem:s28], [sflag:$0x1] =	stream.indirect.gather [hbm4b:s3+s7], $0x20, s17, s7, $0xb8;
	[tilespmem:$0x13400] =	vst v63  }
0xfd: {  	s29 =	sor.u32 $0x6400, s12;
	s18 =	sadd.s32 $0x180, s14  }
0xfe: {  	[tilespmem:s29], [sflag:$0x1] =	stream.indirect.gather [hbm4b:s3+s7], $0x20, s18, s7, $0xb8;
	[tilespmem:$0x13400] =	vst v63  }
0xff: {  	s19 =	sadd.s32 $0x200, s14;
	s18 =	sor.u32 $0x7400, s12  }
0x100: {  	[tilespmem:s18], [sflag:$0x1] =	stream.indirect.gather [hbm4b:s3+s7], $0x20, s19, s7, $0xb8;
	[tilespmem:$0x13400] =	vst v63  }
0x101: {  	s20 =	sadd.s32 $0x280, s14;
	s19 =	sadd.s32 $0x8400, s12  }
0x102: {  	[tilespmem:s19], [sflag:$0x1] =	stream.indirect.gather [hbm4b:s3+s7], $0x20, s20, s7, $0xb8;
	[tilespmem:$0x13400] =	vst v63  }
0x103: {  	s21 =	sadd.s32 $0x300, s14;
	s20 =	sadd.s32 $0x9400, s12  }
0x104: {  	[tilespmem:s20], [sflag:$0x1] =	stream.indirect.gather [hbm4b:s3+s7], $0x20, s21, s7, $0xb8;
	[tilespmem:$0x13400] =	vst v63  }
0x105: {  	s14 =	sadd.s32 $0x380, s14;
	s12 =	sadd.s32 $0xA400, s12  }
0x106: {  	[tilespmem:s12], [sflag:$0x1] =	stream.indirect.gather [hbm4b:s3+s7], $0x20, s14, s7, $0xb8;
	[tilespmem:$0x13400] =	vst v63  }
0x107: {  	_ =	swait.ge [sflag:s8], $0x1000  }
0x108: {  	[sflag:s8] =	ssyncset.done $0x0  }
0x109: {  	[sflag:s8] =	ssyncadd.s32 $0xFFFFF000  }
0x10a: {  	_ =	swait.ge [sflag:s8], $0x1000  }
0x10b: {  	[sflag:s8] =	ssyncset.done $0x0  }
0x10c: {  	[sflag:s8] =	ssyncadd.s32 $0xFFFFF000  }
0x10d: {  	_ =	swait.ge [sflag:s8], $0x1000  }
0x10e: {  	[sflag:s8] =	ssyncset.done $0x0  }
0x10f: {  	[sflag:s8] =	ssyncadd.s32 $0xFFFFF000  }
0x110: {  	_ =	swait.ge [sflag:s8], $0x1000  }
0x111: {  	[sflag:s8] =	ssyncset.done $0x0  }
0x112: {  	[sflag:s8] =	ssyncadd.s32 $0xFFFFF000  }
0x113: {  	_ =	swait.ge [sflag:s8], $0x1000  }
0x114: {  	[sflag:s8] =	ssyncset.done $0x0  }
0x115: {  	[sflag:s8] =	ssyncadd.s32 $0xFFFFF000  }
0x116: {  	_ =	swait.ge [sflag:s8], $0x1000  }
0x117: {  	[sflag:s8] =	ssyncset.done $0x0  }
0x118: {  	[sflag:s8] =	ssyncadd.s32 $0xFFFFF000  }
0x119: {  	_ =	swait.ge [sflag:s8], $0x1000  }
0x11a: {  	[sflag:s8] =	ssyncset.done $0x0  }
0x11b: {  	[sflag:s8] =	ssyncadd.s32 $0xFFFFF000  }
0x11c: {  	_ =	swait.ge [sflag:s8], $0x1000  }
0x11d: {  	s30 =	rddreg [dreg:$0x3];
	[sflag:s8] =	ssyncset.done $0x0  }
0x11e: {  	s31 =	rddreg [dreg:$0x4];
	[sflag:s8] =	ssyncadd.s32 $0xFFFFF000;
	s14 =	sadd.s32 s11, s30  }
0x11f: {  	[hbm4b:s14+s2] =	stream.linear.scatter [tilespmem:s24], [sflag:$0x2], $0x1000, $0x38;
	[tilespmem:$0x13400] =	vst v63  }
0x120: {  	s22 =	rddreg [dreg:$0x5];
	s24 =	sadd.s32 s11, s31  }
0x121: {  	[hbm4b:s24+s2] =	stream.linear.scatter [tilespmem:s25], [sflag:$0x2], $0x1000, $0x38;
	[tilespmem:$0x13400] =	vst v63  }
0x122: {  	s23 =	rddreg [dreg:$0x6];
	s26 =	sadd.s32 s11, s22  }
0x123: {  	[hbm4b:s26+s2] =	stream.linear.scatter [tilespmem:s28], [sflag:$0x2], $0x1000, $0x38;
	[tilespmem:$0x13400] =	vst v63  }
0x124: {  	s13 =	sadd.s32 s11, s23;
	s25 =	rddreg [dreg:$0x7]  }
0x125: {  	[hbm4b:s13+s2] =	stream.linear.scatter [tilespmem:s29], [sflag:$0x2], $0x1000, $0x38;
	[tilespmem:$0x13400] =	vst v63  }
0x126: {  	s14 =	sadd.s32 s11, s25;
	s28 =	rddreg [dreg:$0x8]  }
0x127: {  	[hbm4b:s14+s2] =	stream.linear.scatter [tilespmem:s18], [sflag:$0x2], $0x1000, $0x38;
	[tilespmem:$0x13400] =	vst v63  }
0x128: {  	s15 =	sadd.s32 s11, s28;
	s29 =	rddreg [dreg:$0x9]  }
0x129: {  	[hbm4b:s15+s2] =	stream.linear.scatter [tilespmem:s19], [sflag:$0x2], $0x1000, $0x38;
	[tilespmem:$0x13400] =	vst v63  }
0x12a: {  	s30 =	rddreg [dreg:$0xa];
	s13 =	sadd.s32 s11, s29  }
0x12b: {  	[hbm4b:s13+s2] =	stream.linear.scatter [tilespmem:s20], [sflag:$0x2], $0x1000, $0x38;
	[tilespmem:$0x13400] =	vst v63  }
0x12c: {  	s31 =	sadd.s32 s11, s30  }
0x12d: {  	[hbm4b:s31+s2] =	stream.linear.scatter [tilespmem:s12], [sflag:$0x2], $0x1000, $0x38;
	[tilespmem:$0x13400] =	vst v63  }
0x12e: {  	_ =	swait.ge [sflag:s9], $0x1000  }
0x12f: {  	[sflag:s9] =	ssyncset.done $0x0  }
0x130: {  	[sflag:s9] =	ssyncadd.s32 $0xFFFFF000  }
0x131: {  	_ =	swait.ge [sflag:s9], $0x1000  }
0x132: {  	[sflag:s9] =	ssyncset.done $0x0  }
0x133: {  	[sflag:s9] =	ssyncadd.s32 $0xFFFFF000  }
0x134: {  	_ =	swait.ge [sflag:s9], $0x1000  }
0x135: {  	[sflag:s9] =	ssyncset.done $0x0  }
0x136: {  	[sflag:s9] =	ssyncadd.s32 $0xFFFFF000  }
0x137: {  	_ =	swait.ge [sflag:s9], $0x1000  }
0x138: {  	[sflag:s9] =	ssyncset.done $0x0  }
0x139: {  	[sflag:s9] =	ssyncadd.s32 $0xFFFFF000  }
0x13a: {  	_ =	swait.ge [sflag:s9], $0x1000  }
0x13b: {  	[sflag:s9] =	ssyncset.done $0x0  }
0x13c: {  	[sflag:s9] =	ssyncadd.s32 $0xFFFFF000  }
0x13d: {  	_ =	swait.ge [sflag:s9], $0x1000  }
0x13e: {  	[sflag:s9] =	ssyncset.done $0x0  }
0x13f: {  	[sflag:s9] =	ssyncadd.s32 $0xFFFFF000  }
0x140: {  	_ =	swait.ge [sflag:s9], $0x1000  }
0x141: {  	[sflag:s9] =	ssyncset.done $0x0  }
0x142: {  	[sflag:s9] =	ssyncadd.s32 $0xFFFFF000  }
0x143: {  	_ =	swait.ge [sflag:s9], $0x1000  }
0x144: {  	[sflag:s9] =	ssyncset.done $0x0  }
0x145: {  	[sflag:s9] =	ssyncadd.s32 $0xFFFFF000  }
0x146: {  	_ =	swait.ge [sflag:s9], $0x1000  }
0x147: {  	[sflag:s9] =	ssyncset.done $0x0  }
0x148: {  	[sflag:s9] =	ssyncadd.s32 $0xFFFFF000  }
0x149: {  	_ =	swait.ge [sflag:s9], $0x1000  }
0x14a: {  	[sflag:s9] =	ssyncset.done $0x0  }
0x14b: {  	[sflag:s9] =	ssyncadd.s32 $0xFFFFF000  }
0x14c: {  	_ =	swait.ge [sflag:s9], $0x1000  }
0x14d: {  	[sflag:s9] =	ssyncset.done $0x0  }
0x14e: {  	[sflag:s9] =	ssyncadd.s32 $0xFFFFF000  }
0x14f: {  	_ =	swait.ge [sflag:s9], $0x1000  }
0x150: {  	[sflag:s9] =	ssyncset.done $0x0  }
0x151: {  	[sflag:s9] =	ssyncadd.s32 $0xFFFFF000  }
0x152: {  	_ =	swait.ge [sflag:s9], $0x1000  }
0x153: {  	[sflag:s9] =	ssyncset.done $0x0  }
0x154: {  	[sflag:s9] =	ssyncadd.s32 $0xFFFFF000  }
0x155: {  	_ =	swait.ge [sflag:s9], $0x1000  }
0x156: {  	[sflag:s9] =	ssyncset.done $0x0  }
0x157: {  	s10 =	sadd.s32 $0x1, s10;
	[sflag:s9] =	ssyncadd.s32 $0xFFFFF000  }
0x158: {  	p0 =	sne.s32 s10, s5;
	_ =	swait.ge [sflag:s9], $0x1000  }
.Ltmp2:
0x159: {  	[sflag:s9] =	ssyncset.done $0x0;
	(pc) =	sbr.rel @p0 .LBB2_1-.Ltmp2, $4  }
0x15a: {  	[sflag:s9] =	ssyncadd.s32 $0xFFFFF000  }
0x15b: {  	_ =	swait.ge [sflag:s9], $0x1000  }
0x15c: {  	[sflag:s9] =	ssyncset.done $0x0  }
0x15d: {  	[sflag:s9] =	ssyncadd.s32 $0xFFFFF000  }
0x15e: {  	_ =	sfence.sel $0x180000  }
0x15f: {  	[bflag:$0x0] =	sbarrier.arrive $0xFFFF  }
0x160: {  	p0 =	sne.s32 s0, $0x0;
	_ =	strace $0x90000047  }
0x161: {  	s0 =	sadd.s32 @!p0 $0x100000, s1;
	[bflag:$0x2] =	sbarrier.arrive $0xFFFF  }
0x162: {  	[sflag:s0] =	ssyncadd.tile.s32 @!p0 $0x1;
	_ =	shalt  }
.Lfunc_end2:
_tile_overlayer_lowered:
.L_overlay_start_2:
0x163: {  	(tag) =	ssettag $0x2  }
0x164: {  	s0 =	rddreg [dreg:$0x0];
	s2 =	stileid.u32  }
0x165: {  	s1 =	rddreg [dreg:$0x1];
	p0 =	sne.s32 s2, $0x0  }
0x166: {  	s3 =	rddreg [dreg:$0x2];
	[bflag:$0x3] =	sbarrier.arrive $0xFFFF;
	s2 =	simm.s32 @!p0 $0x1C03  }
0x167: {  	[timem:s3], [sflag:s2] =	dma.local @!p0 [hbm:s0], s1  }
0x168: {  	s0 =	simm.s32 @!p0 $0x3  }
0x169: {  	_ =	swait.ge @!p0 [sflag:s0], s1  }
0x16a: {  	s1 =	ssub.s32 @!p0 $0x0, s1;
	[sflag:s0] =	ssyncset.done @!p0 $0x0  }
0x16b: {  	[sflag:s0] =	ssyncadd.s32 @!p0 s1  }
0x16c: {  	[bflag:$0x3] =	sbarrier.arrive $0xFFFF  }
0x16d: {  	_ =	shalt  }

// kernel: sparse-core-data-format-call.cloned.1.call-start
scs
called_computation_lowered:
.L_overlay_start_0:
0x0: {  	s2 =	sld [smem:$0x3FD9]  }
0x1: {  	s3 =	sld [smem:$0x3FFE];
	_ =	sdelay $0x1  }
0x2: {  	s1 =	srdreg.scid  }
0x3: {  	s0 =	sand.u32 $0x1, s1  }
0x4: {  	s18 =	sshll.u32 s0, $0xA;
	s2 =	sadd.s32 s3, s2  }
0x5: {  	s2 =	sadd.s32 s2, s18  }
0x6: {  	[smem:$0x3FC6] =	sst s2  }
0x7: {  	_ = 	snop  }
0x8: {  	s2 =	sld [smem:$0x3FD0];
	(tm) =	ssettm $0x1  }
0x9: {  	s19 =	sld [smem:$0x3FFB];
	_ =	sdelay $0x3  }
0xa: {  	_ =	strace s19  }
0xb: {  	s3 =	sld [smem:$0x3FFC];
	_ =	sdelay $0x3  }
0xc: {  	_ =	strace s3  }
0xd: {  	s3 =	sld [smem:$0x3FFD];
	_ =	sdelay $0x3  }
0xe: {  	_ =	strace s3  }
0xf: {  	_ =	strace $0x8FFFFFFF  }
0x10: {  	s20 =	sld [smem:$0x3FDB];
	_ =	sdelay $0x1  }
0x11: {  	s4 =	simm.s32 $_scs_section_size  }
0x12: {  	s5 =	simm.s32 $_size__tile_overlayer_lowered;
	s6 =	simm.s32 $_tile_overlayer_lowered  }
0x13: {  	s23 =	simm.s32 $0x1BFF;
	s22 =	sshll.u32 s6, $0x1;
	s3 =	sadd.s32 s4, s20  }
0x14: {  	s7 =	simm.s32 $0x0;
	s21 =	sshll.u32 s5, $0x1;
	s5 =	sadd.s32 s22, s3  }
0x15: {  	[timem:s7], [sflag:s23] =	dma.local [hbm:s5], s21  }
0x16: {  	_ =	swait.ge [sflag:s23], s21  }
0x17: {  	s4 =	ssub.s32 $0x0, s21;
	[sflag:s23] =	ssyncset.done $0x0  }
0x18: {  	[sflag:s23] =	ssyncadd.s32 s4;
	_ =	sdelay $0x1  }
0x19: {  	s24 =	simm.s32 $0x1B8B  }
0x1a: {  	_ =	swait.ge [sflag:s24], $0x1  }
0x1b: {  	[sflag:s24] =	ssyncset.done $0x0  }
0x1c: {  	s26 =	simm.s32 $0x1B8E;
	s25 =	sld [smem:$0x3FFE];
	[sflag:s24] =	ssyncadd.s32 $0xFFFFFFFF  }
0x1d: {  	s27 =	simm.s32 $execute0_lowered;
	[smem:$0x3FD2] =	sst s26  }
0x1e: {  	s5 =	sshll.u32 s27, $0x1;
	_ =	strace $0x80000049;
	[dreg:$0x1] =	wrdreg $0xFFFFFFFF  }
0x1f: {  	s28 =	simm.s32 $_size_execute0_lowered;
	s3 =	sadd.s32 s3, s5;
	[dreg:$0x0] =	wrdreg $0x0  }
0x20: {  	s5 =	sshll.u32 s28, $0x1;
	[dreg:$0x2] =	wrdreg s3  }
0x21: {  	[dreg:$0x3] =	wrdreg s5  }
0x22: {  	[dreg:$0x4] =	wrdreg $0xC0  }
0x23: {  	_ =	task [dreg:s7], $0x5FFFF  }
0x24: {  	[dreg:$0x1] =	wrdreg $0xFFFFFFFF  }
0x25: {  	[dreg:$0x0] =	wrdreg $0x60  }
0x26: {  	[dreg:$0x2] =	wrdreg s25  }
0x27: {  	[dreg:$0x3] =	wrdreg s2  }
0x28: {  	[dreg:$0x4] =	wrdreg $0x9  }
0x29: {  	_ =	task.clear_ibuf [dreg:s7], $0x5FFFF;
	_ =	strace $0x90000049  }
0x2a: {  	s29 =	simm.s32 $0x9;
	_ =	strace $0x8000004B  }
0x2b: {  	_ =	swait.ge [sflag:s29], $0x1  }
0x2c: {  	[sflag:s29] =	ssyncadd.s32 $0xFFFFFFFF  }
0x2d: {  	_ =	strace $0x9000004B  }
0x2e: {  	_ =	sfence  }
0x2f: {  	s30 =	sld [smem:$0x0];
	_ =	sdelay $0x2  }
0x30: {  	s31 =	sshll.u32 s1, $0xD;
	s1 =	sshrl.u32 s1, $0x2  }
0x31: {  	s3 =	sand.u32 $0x4000, s31;
	s1 =	sadd.s32 s1, s30  }
0x32: {  	s0 =	sor.u32 s3, s0;
	s1 =	sshll.u32 s1, $0x11  }
0x33: {  	s0 =	sor.u32 s1, s0  }
0x34: {  	s0 =	sadd.s32 $0x8F2B, s0  }
0x35: {  	[sflag:s0] =	ssyncadd.remote.s32 $0x1  }
0x36: {  	_ =	sfence.sel $0xFFFF  }
0x37: {  	[dreg:$0x0] =	wrdreg $0xFFFFFFFF;
	(pc) =	sbr.abs _section_cstart, $3  }
0x38: {  	[dreg:$0x1] =	wrdreg $0xFFFFFFFF  }
0x39: {  	_ =	task.clear_ibuf [dreg:s7], $0x2FFFF;
	_ =	strace $0x9FFFFFFF  }
0x3a: {  	(tm) =	ssettm $0x7FFFFFFF  }
0x3b: {  	_ =	shalt  }
tec
execute0_lowered:
.L_overlay_start_1:
0x0: {  	(tag) =	ssettag $0x1  }
0x1: {  	s0 =	srdreg.scid  }
0x2: {  	s1 =	sshll.u32 s0, $0x4  }
0x3: {  	s6 =	rddreg [dreg:$0x0];
	s0 =	stileid.u32;
	s1 =	sand.u32 $0x10, s1  }
0x4: {  	s3 =	rddreg [dreg:$0x1];
	s1 =	sor.u32 s0, s1  }
0x5: {  	s5 =	simm.s32 $0x1;
	s31 =	simm.s32 $0x2;
	s2 =	sshll.u32 s1, $0x7  }
0x6: {  	s15 =	simm.s32 $0x0;
	s8 =	simm.s32 $0x20000;
	s4 =	ssub.s32 $0x4000, s2  }
0x7: {  	s14 =	simm.s32 $0x0;
	s9 =	simm.s32 $0x0;
	s30 =	sand.u32 $0xF80, s4  }
0x8: {  	s10 =	simm.s32 $0x0;
	s11 =	simm.s32 $0x0;
	p0 =	sne.s32 s30, $0x0  }
.Ltmp0:
0x9: {  	s7 =	sshrl.u32 s4, $0xC;
	s5 =	simm.s32 @!p0 $0x0;
	(pc) =	sbr.rel .LBB1_1-.Ltmp0, $4  }
0xa: {  	s13 =	simm.s32 $0x0;
	s1 =	rddreg [dreg:$0x2];
	s5 =	sadd.s32 s5, s7  }
0xb: {  	_ =	strace $0x8000004A;
	s4 =	simm.s32 $0x1;
	s5 =	smul.u32 $0x7, s5  }
0xc: {  	s6 =	sadd.s32 $0xA00, s6;
	s12 =	smov.u32 s2;
	[sflag:s4] =	ssyncpa.u1 $0x0  }
0xd: {  	[sflag:s31] =	ssyncpa.u1 $0x0;
	p0 =	por $0x0, $0x0;
	s7 =	sadd.s32 $0x1, s5  }
.LBB1_4:
0xe: {  	s20 =	sshra.s32 s20, $0x2  }
0xf: {  	s28 =	sand.u32 $0x78, s10;
	s21 =	sshll.u32 s9, $0xE;
	s22 =	sshll.u32 s10, $0x3  }
0x10: {  	s24 =	sshll.u32 s9, $0x7;
	p1 =	sgt.s32 s9, $0x2C0;
	s30 =	sshra.s32 s9, $0x1F  }
0x11: {  	s26 =	sshra.s32 s10, $0x1F;
	s19 =	sadd.s32 s20, s19;
	s21 =	sand.u32 $0xFFFE0000, s21  }
0x12: {  	v5 =	vld [tilespmem:s17+$0xFFFFFFD0];
	[tilespmem:s18+$0x2040 ss:$0x81] =	vst.msk $0xffff, v4;
	s23 =	sand.u32 $0xFFFFFC00, s22;
	s29 =	sand.u32 $0x380, s24;
	s22 =	sand.u32 $0x3C00, s22  }
0x13: {  	v58 =	vld [tilespmem:s17+$0xFFFFFFE0];
	[tilespmem:s18+$0x2850 ss:$0x81] =	vst.msk $0xffff, v3;
	s21 =	sadd.s32 s23, s21;
	s20 =	sor.u32 s28, s22;
	s22 =	smov.u32 s9  }
0x14: {  	v59 =	vld [tilespmem:s17+$0xFFFFFFF0];
	[tilespmem:s18+$0x3060 ss:$0x81] =	vst.msk $0xffff, v2;
	s24 =	sand.u32 s30, s9;
	s21 =	sshrl.u32 s21, $0xE;
	s22 =	simm.s32 @!p1 $0x2C0  }
0x15: {  	v60 =	vld [tilespmem:s17+$0x0];
	[tilespmem:s18+$0x0 ss:$0x81] =	vst.msk $0xffff, v1;
	p1 =	sgt.s32 s10, $0x3F80;
	s31 =	ssub.s32 s22, s24;
	s22 =	smov.u32 s10  }
0x16: {  	v61 =	vld [tilespmem:s17+$0x10];
	[tilespmem:s19+$0x3870 ss:$0x81] =	vst.msk $0xffff, v0;
	s25 =	smulhi.u32 $0x4EC4ED, s21;
	s24 =	sand.u32 s26, s10;
	s22 =	simm.s32 @!p1 $0x3F80  }
0x17: {  	v62 =	vld [tilespmem:s17+$0x20];
	s20 =	sor.u32 s29, s20;
	[tilespmem:s19+$0x810 ss:$0x81] =	vst.msk $0xffff, v5;
	s27 =	sadd.s32 $0xFFFFFD40, s31;
	s22 =	ssub.s32 s22, s24  }
0x18: {  	v63 =	vld [tilespmem:s17+$0xFFFFFFC0];
	[tilespmem:s19+$0x1020 ss:$0x81] =	vst.msk $0xffff, v58;
	s18 =	ssub.s32 $0x340, s31;
	s28 =	smul.u32 $0x340, s25;
	s29 =	sadd.s32 $0xFFFFC080, s22  }
0x19: {  	[tilespmem:s19+$0x1830 ss:$0x81] =	vst.msk $0xffff, v59;
	p1 =	sgt.s32 s27, $0x7F;
	s22 =	ssub.s32 $0x4000, s22;
	p2 =	sgt.s32 s29, $0x7F  }
0x1a: {  	s30 =	sand.u32 $0x7, s10;
	[tilespmem:s19+$0x2040 ss:$0x81] =	vst.msk $0xffff, v60;
	s18 =	simm.s32 @p1 $0x0;
	s22 =	simm.s32 @p2 $0x0  }
0x1b: {  	s20 =	sshrl.u32 s20, $0x3;
	[tilespmem:s19+$0x2850 ss:$0x81] =	vst.msk $0xffff, v61;
	s17 =	ssub.s32 s21, s28;
	s18 =	smul.u32 s22, s18  }
0x1c: {  	[tilespmem:s19+$0x3060 ss:$0x81] =	vst.msk $0xffff, v62;
	s20 =	sadd.s32 s3, s20;
	s21 =	sshll.u32 s30, $0x12;
	s17 =	sshll.u32 s17, $0xB  }
0x1d: {  	[tilespmem:s19+$0x0 ss:$0x81] =	vst.msk $0xffff, v63;
	s31 =	sor.u32 $0x400, s21;
	s17 =	sadd.s32 s17, s20;
	s18 =	sand.u32 $0x3FFFFFFF, s18  }
0x1e: {  	[hbm4b:s17+s31] =	stream.strided.scatter [tilespmem:s16], [sflag:$0x2], s18, s8, s31, $0x20;
	[tilespmem:$0x10100] =	vst v63  }
.LBB1_5:
0x1f: {  	p1 =	slt.u32 s13, $0x2  }
0x20: {  	s17 =	smov.u32 s15;
	p2 =	sgt.s32 @!p1 s15, $0x2C0;
	s16 =	sshra.s32 @!p1 s15, $0x1F  }
0x21: {  	p3 =	sgt.s32 @!p1 s14, $0x3F80;
	s18 =	sshra.s32 @!p1 s14, $0x1F;
	p2 =	por !p2, p1  }
0x22: {  	s15 =	sand.u32 @!p1 s16, s15;
	p3 =	por !p3, p1;
	s16 =	smov.u32 s14  }
0x23: {  	s14 =	sand.u32 @!p1 s18, s14;
	s17 =	simm.s32 @p2 $0x2C0;
	s16 =	simm.s32 @p3 $0x3F80  }
0x24: {  	s15 =	ssub.s32 @!p1 s17, s15;
	s14 =	ssub.s32 @!p1 s16, s14  }
0x25: {  	s18 =	smov.u32 s12;
	s16 =	sadd.s32 @!p1 $0xFFFFFD40, s15;
	s17 =	sadd.s32 @!p1 $0xFFFFC080, s14  }
0x26: {  	s15 =	ssub.s32 @!p1 $0x340, s15;
	p2 =	sgt.s32 @!p1 s16, $0x7F;
	p3 =	sgt.s32 @!p1 s17, $0x7F  }
0x27: {  	s14 =	ssub.s32 @!p1 $0x4000, s14;
	p2 =	por !p2, p1;
	p3 =	por !p3, p1  }
0x28: {  	s16 =	sadd.s32 $0x80, s11;
	s15 =	simm.s32 @!p2 $0x0;
	s14 =	simm.s32 @!p3 $0x0  }
0x29: {  	p2 =	sgt.s32 s16, $0x33F;
	s14 =	smul.u32 @!p1 s14, s15;
	s15 =	sadd.s32 $0x1000, s12  }
0x2a: {  	s18 =	smov.u32 @p2 s15  }
0x2b: {  	s16 =	simm.s32 @p2 $0x0;
	p2 =	sgt.s32 s18, $0x3FFF  }
0x2c: {  	s18 =	smov.u32 @p2 s2;
	p2 =	sne.s32 s13, s7  }
.Ltmp1:
0x2d: {  	p0 =	por !p0, !p0;
	s17 =	simm.s32 @!p1 $0x2;
	(pc) =	sbr.rel @!p2 .LBB1_6-.Ltmp1, $4  }
0x2e: {  	s15 =	smov.u32 s9;
	s9 =	smov.u32 s11;
	s14 =	sand.u32 @!p1 $0x3FFFFFFF, s14  }
0x2f: {  	s11 =	smov.u32 s16;
	_ =	swait.ge @!p1 [sflag:s17], s14;
	s19 =	ssub.s32 @!p1 $0x0, s14  }
0x30: {  	s14 =	smov.u32 s10;
	s13 =	sadd.s32 $0x1, s13;
	[sflag:s17] =	ssyncset.done @!p1 $0x0  }
0x31: {  	s10 =	smov.u32 s12;
	s12 =	smov.u32 s18;
	[sflag:s17] =	ssyncadd.s32 @!p1 s19  }
.LBB1_1:
0x32: {  	p1 =	sge.u32 s13, s5  }
0x33: {  	s16 =	sshrl.u32 @!p1 s12, $0x3  }
0x34: {  	s17 =	sshll.u32 @!p1 s11, $0x3;
	s16 =	smul.u32 @!p1 $0x1C00, s16  }
0x35: {  	s18 =	sshll.u32 @!p1 s12, $0x7;
	s17 =	sand.u32 @!p1 $0xFFFFFC00, s17  }
0x36: {  	s16 =	sadd.s32 @!p1 s16, s17;
	s17 =	sand.u32 @!p1 $0x380, s18  }
0x37: {  	s16 =	sor.u32 @!p1 s17, s16  }
0x38: {  	s17 =	sshrl.u32 @!p1 s16, $0x7  }
0x39: {  	s17 =	smulhi.u32 @!p1 $0x24924925, s17;
	_ =	sdelay $0x1  }
0x3a: {  	s18 =	sand.u32 @!p1 $0x7F, s11;
	s19 =	smul.u32 @!p1 $0x380, s17  }
0x3b: {  	s31 =	sadd.s32 $0xFFFFFFFF, s13;
	s16 =	sor.u32 @!p1 s18, s16;
	s18 =	sxor.u32 @!p1 $0xFFFFFFFF, s13  }
0x3c: {  	s18 =	sshll.u32 @!p1 s18, $0xE;
	s17 =	sand.u32 @!p1 $0x3FFF, s17;
	s16 =	ssub.s32 @!p1 s16, s19  }
0x3d: {  	s17 =	smul.u32 @!p1 $0x70, s17;
	s19 =	sshrl.u32 @!p1 s16, $0x3;
	s16 =	sand.u32 @!p1 $0x7, s16  }
0x3e: {  	s18 =	sand.u32 @!p1 $0x4000, s18;
	s19 =	sadd.s32 @!p1 s6, s19;
	s16 =	sshll.u32 @!p1 s16, $0x12  }
0x3f: {  	s17 =	sadd.s32 @!p1 s17, s19;
	s16 =	sor.u32 @!p1 $0x400, s16;
	s19 =	simm.s32 @!p1 $0x1C00  }
0x40: {  	[tilespmem:s18], [sflag:$0x1] =	stream.strided.gather @!p1 [hbm4b:s17+s16], $0x4000, s19, s16, $0x38;
	[tilespmem:$0x10100] =	vst v63  }
0x41: {  	p1 =	sge.u32 s31, s5  }
.Ltmp2:
0x42: {  	_ = 	snop;
	(pc) =	sbr.rel @p1 .LBB1_5-.Ltmp2, $1  }
0x43: {  	_ =	sdelay $0x3  }
0x44: {  	s16 =	simm.s32 $0x1  }
0x45: {  	_ =	swait.ge [sflag:s4], $0x4000;
	s16 =	simm.s32 @!p0 $0x0  }
0x46: {  	[sflag:s4] =	ssyncset.done $0x0;
	s17 =	sshll.u32 s16, $0xE  }
0x47: {  	[sflag:s4] =	ssyncadd.s32 $0xFFFFC000;
	s17 =	sor.u32 $0x40, s17  }
0x48: {  	s16 =	smul.u32 $0x10200, s16;
	v0 =	vld [tilespmem:s17+$0x30]  }
0x49: {  	v1 =	vld [tilespmem:s17+$0xFFFFFFD0]  }
0x4a: {  	s16 =	sshrl.u32 s16, $0x2;
	v5 =	vld [tilespmem:s17+$0xFFFFFFE0]  }
0x4b: {  	v6 =	vld [tilespmem:s17+$0xFFFFFFF0];
	s19 =	sor.u32 $0x8000, s16  }
0x4c: {  	s31 =	sand.u32 $0x1, s13;
	v4 =	vld [tilespmem:s17+$0x0];
	s18 =	sadd.s32 $0x0, s19  }
0x4d: {  	v3 =	vld [tilespmem:s17+$0x10];
	s16 =	smul.u32 $0x10200, s31;
	[tilespmem:s18+$0x3870 ss:$0x81] =	vst.msk $0xffff, v0  }
0x4e: {  	v2 =	vld [tilespmem:s17+$0x20];
	[tilespmem:s18+$0x810 ss:$0x81] =	vst.msk $0xffff, v1  }
0x4f: {  	s16 =	sshrl.u32 s16, $0x2;
	v1 =	vld [tilespmem:s17+$0xFFFFFFC0];
	[tilespmem:s18+$0x1020 ss:$0x81] =	vst.msk $0xffff, v5;
	s17 =	sadd.s32 $0x80, s17  }
0x50: {  	s20 =	simm.s32 $0x4;
	s21 =	simm.s32 $0x8;
	s16 =	sor.u32 $0x8000, s16;
	[tilespmem:s18+$0x1830 ss:$0x81] =	vst.msk $0xffff, v6;
	v0 =	vld [tilespmem:s17+$0x30]  }
.LBB1_3:
0x51: {  	p1 =	sne.s32 s21, $0x1FC;
	v5 =	vld [tilespmem:s17+$0xFFFFFFD0];
	[tilespmem:s18+$0x2040 ss:$0x81] =	vst.msk $0xffff, v4  }
0x52: {  	v6 =	vld [tilespmem:s17+$0xFFFFFFE0];
	[tilespmem:s18+$0x2850 ss:$0x81] =	vst.msk $0xffff, v3  }
0x53: {  	s22 =	sshra.s32 s20, $0x2;
	s20 =	smov.u32 s21;
	v7 =	vld [tilespmem:s17+$0xFFFFFFF0];
	[tilespmem:s18+$0x3060 ss:$0x81] =	vst.msk $0xffff, v2  }
.Ltmp3:
0x54: {  	v4 =	vld [tilespmem:s17+$0x0];
	[tilespmem:s18+$0x0 ss:$0x81] =	vst.msk $0xffff, v1;
	s18 =	sadd.s32 s22, s19;
	(pc) =	sbr.rel @p1 .LBB1_3-.Ltmp3, $4  }
0x55: {  	v3 =	vld [tilespmem:s17+$0x10];
	[tilespmem:s18+$0x3870 ss:$0x81] =	vst.msk $0xffff, v0  }
0x56: {  	[tilespmem:s18+$0x810 ss:$0x81] =	vst.msk $0xffff, v5;
	v2 =	vld [tilespmem:s17+$0x20]  }
0x57: {  	v1 =	vld [tilespmem:s17+$0xFFFFFFC0];
	[tilespmem:s18+$0x1020 ss:$0x81] =	vst.msk $0xffff, v6;
	s17 =	sadd.s32 $0x80, s17  }
0x58: {  	s21 =	sadd.s32 $0x4, s21;
	v0 =	vld [tilespmem:s17+$0x30];
	[tilespmem:s18+$0x1830 ss:$0x81] =	vst.msk $0xffff, v7  }
.Ltmp4:
0x59: {  	_ = 	snop;
	(pc) =	sbr.rel .LBB1_4-.Ltmp4, $1  }
0x5a: {  	_ =	sdelay $0x3  }
.LBB1_6:
0x5b: {  	_ =	sfence.sel $0x180000  }
0x5c: {  	s2 =	simm.s32 $0x1;
	[bflag:$0x0] =	sbarrier.arrive $0xFFFF  }
0x5d: {  	s31 =	simm.s32 $0x2;
	[sflag:s2] =	ssyncpa.u1 $0x1  }
0x5e: {  	[sflag:s31] =	ssyncpa.u1 $0x1  }
0x5f: {  	p0 =	sne.s32 s0, $0x0;
	_ =	strace $0x9000004A  }
0x60: {  	s0 =	sadd.s32 @!p0 $0x100000, s1;
	[bflag:$0x2] =	sbarrier.arrive $0xFFFF  }
0x61: {  	[sflag:s0] =	ssyncadd.tile.s32 @!p0 $0x1;
	_ =	shalt  }
.Lfunc_end1:
_tile_overlayer_lowered:
.L_overlay_start_2:
0x62: {  	(tag) =	ssettag $0x2  }
0x63: {  	s0 =	rddreg [dreg:$0x0];
	s2 =	stileid.u32  }
0x64: {  	s1 =	rddreg [dreg:$0x1];
	p0 =	sne.s32 s2, $0x0  }
0x65: {  	s3 =	rddreg [dreg:$0x2];
	[bflag:$0x3] =	sbarrier.arrive $0xFFFF;
	s2 =	simm.s32 @!p0 $0x1C01  }
0x66: {  	[timem:s3], [sflag:s2] =	dma.local @!p0 [hbm:s0], s1  }
0x67: {  	s0 =	simm.s32 @!p0 $0x1  }
0x68: {  	_ =	swait.ge @!p0 [sflag:s0], s1  }
0x69: {  	s1 =	ssub.s32 @!p0 $0x0, s1;
	[sflag:s0] =	ssyncset.done @!p0 $0x0  }
0x6a: {  	[sflag:s0] =	ssyncadd.s32 @!p0 s1  }
0x6b: {  	[bflag:$0x3] =	sbarrier.arrive $0xFFFF  }
0x6c: {  	_ =	shalt  }

</sc_bundles>
